<compile_context>
chip_gen: v7x
topology: tpu7x:2x2x1
jax: 0.10.2.dev20260603
libtpu: 0.0.44.dev20260713+nightly
codegen_flags: <defaults>
</compile_context>

<pallas_src>
import functools

import jax
import jax.numpy as jnp
from jax import lax
from jax.experimental import pallas as pl
from jax.experimental.pallas import tpu as pltpu
from jax.experimental.pallas import tpu_sc as plsc

N = 10000
E = 320000
D = 128
H = 128
FF = 256

NC = 2
NS = 16
CHUNK = 100
EDGES_PER_TILE = E // (NC * NS)
NCHUNKS = EDGES_PER_TILE // CHUNK
ONES_PAD = ((CHUNK + 15) // 16) * 16
NPAD = 10112
ROWS_PER_TILE = NPAD // NS
DEG_PAD = 10240
DEG_TILE = DEG_PAD // NS
RRING = 3
GDEPTH = RRING - 1
IRING = 8

ROW_BLOCK = 1024
GRID = 10

_MESH = plsc.VectorSubcoreMesh(
    core_axis_name="c", subcore_axis_name="s", num_cores=NC, num_subcores=NS)


@functools.partial(
    pl.kernel,
    mesh=_MESH,
    out_type=jax.ShapeDtypeStruct((NC, DEG_PAD), jnp.float32),
    scratch_types=[
        pltpu.VMEM((NCHUNKS, 2, CHUNK), jnp.int32),
        pltpu.VMEM((ONES_PAD,), jnp.float32),
        pltpu.VMEM((DEG_TILE,), jnp.float32),
        pltpu.SemaphoreType.DMA,
        pltpu.VMEM_SHARED((DEG_PAD,), jnp.float32),
    ],
)
def _sc_degree(ei_hbm, out_hbm, dstv, ones_v, zv, ssem, acc_sh):
    cid = lax.axis_index("c")
    sid = lax.axis_index("s")
    wid = cid * NS + sid

    def ones_body(i, c):
        ones_v[pl.ds(i * 16, 16)] = jnp.ones((16,), jnp.float32)
        return c
    lax.fori_loop(0, ONES_PAD // 16, ones_body, 0)

    def zeros_body(i, c):
        zv[pl.ds(i * 16, 16)] = jnp.zeros((16,), jnp.float32)
        return c
    lax.fori_loop(0, DEG_TILE // 16, zeros_body, 0)

    pltpu.sync_copy(ei_hbm.at[wid], dstv)
    pltpu.sync_copy(zv, acc_sh.at[pl.ds(sid * DEG_TILE, DEG_TILE)])
    plsc.subcore_barrier()

    def body(i, c):
        pltpu.async_copy(ones_v.at[pl.ds(0, CHUNK)], acc_sh.at[dstv.at[i, 1]], ssem, add=True)
        return c
    lax.fori_loop(0, NCHUNKS, body, 0)

    def drain(i, c):
        pltpu.make_async_copy(ones_v.at[pl.ds(0, CHUNK)], acc_sh.at[dstv.at[i, 1]], ssem).wait()
        return c
    lax.fori_loop(0, NCHUNKS, drain, 0)

    plsc.subcore_barrier()
    pltpu.sync_copy(acc_sh.at[pl.ds(sid * DEG_TILE, DEG_TILE)],
                    out_hbm.at[cid, pl.ds(sid * DEG_TILE, DEG_TILE)])


@functools.partial(
    pl.kernel,
    mesh=_MESH,
    out_type=jax.ShapeDtypeStruct((NC, NPAD, H), jnp.float32),
    scratch_types=[
        pltpu.VMEM((IRING, 2, CHUNK), jnp.int32),
        pltpu.VMEM((RRING, CHUNK, H), jnp.float32),
        pltpu.SemaphoreType.DMA,
        pltpu.SemaphoreType.DMA,
        pltpu.SemaphoreType.DMA,
        pltpu.VMEM_SHARED((NPAD, H), jnp.float32),
    ],
)
def _sc_scatter(hs_hbm, ei_hbm, z_hbm, out_hbm, idxv, rows_v,
                isem, gsem, ssem, acc_sh):
    cid = lax.axis_index("c")
    sid = lax.axis_index("s")
    wid = cid * NS + sid

    pltpu.sync_copy(z_hbm, acc_sh.at[pl.ds(sid * ROWS_PER_TILE, ROWS_PER_TILE)])

    def _load_idx(j, slot, sync):
        if sync:
            pltpu.sync_copy(ei_hbm.at[wid, j], idxv.at[slot])
        else:
            pltpu.async_copy(ei_hbm.at[wid, j], idxv.at[slot], isem)

    for j in range(GDEPTH):
        _load_idx(j, j, True)
        pltpu.async_copy(hs_hbm.at[idxv.at[j, 0]], rows_v.at[j], gsem)
    _load_idx(GDEPTH, GDEPTH, False)
    plsc.subcore_barrier()

    def body(i, c):
        b = lax.rem(i, RRING)
        q = i & (IRING - 1)
        pltpu.make_async_copy(hs_hbm.at[idxv.at[q, 0]],
                              rows_v.at[b], gsem).wait()
        pltpu.async_copy(rows_v.at[b], acc_sh.at[idxv.at[q, 1]],
                         ssem, add=True)

        @pl.when(i + GDEPTH < NCHUNKS)
        def _():
            m = (i + GDEPTH) & (IRING - 1)
            pltpu.make_async_copy(ei_hbm.at[wid, i + GDEPTH], idxv.at[m],
                                  isem).wait()
            r = lax.rem(i + GDEPTH, RRING)

            @pl.when(i >= 1)
            def _():
                pltpu.make_async_copy(
                    rows_v.at[r], acc_sh.at[idxv.at[(i - 1) & (IRING - 1), 1]],
                    ssem).wait()
            pltpu.async_copy(hs_hbm.at[idxv.at[m, 0]], rows_v.at[r], gsem)

        @pl.when(i + GDEPTH + 1 < NCHUNKS)
        def _():
            _load_idx(i + GDEPTH + 1, (i + GDEPTH + 1) & (IRING - 1), False)
        return c
    lax.fori_loop(0, NCHUNKS, body, 0)

    def sdrain(j, c):
        pltpu.make_async_copy(rows_v.at[lax.rem(j, RRING)],
                              acc_sh.at[idxv.at[j & (IRING - 1), 1]],
                              ssem).wait()
        return c
    lax.fori_loop(NCHUNKS - RRING, NCHUNKS, sdrain, 0)

    plsc.subcore_barrier()
    pltpu.sync_copy(acc_sh.at[pl.ds(sid * ROWS_PER_TILE, ROWS_PER_TILE)],
                    out_hbm.at[cid, pl.ds(sid * ROWS_PER_TILE, ROWS_PER_TILE)])


def _dinv_block(degp_blk):
    return lax.rsqrt(degp_blk[0] + degp_blk[1] + 1.0)[:, None]


def _tc1_body(x_ref, w_ref, degp_ref, hs_ref, dinv_ref):
    h = jnp.dot(x_ref[...], w_ref[...], preferred_element_type=jnp.float32)
    dinv = _dinv_block(degp_ref[...])
    hs_ref[...] = h * dinv
    dinv_ref[...] = dinv


def _tc_scale(x, W_gcn, degp):
    return pl.pallas_call(
        _tc1_body,
        grid=(GRID,),
        in_specs=[
            pl.BlockSpec((ROW_BLOCK, D), lambda i: (i, 0)),
            pl.BlockSpec((D, H), lambda i: (0, 0)),
            pl.BlockSpec((2, ROW_BLOCK), lambda i: (0, i)),
        ],
        out_specs=[
            pl.BlockSpec((ROW_BLOCK, H), lambda i: (i, 0)),
            pl.BlockSpec((ROW_BLOCK, 1), lambda i: (i, 0)),
        ],
        out_shape=[
            jax.ShapeDtypeStruct((N, H), jnp.float32),
            jax.ShapeDtypeStruct((N, 1), jnp.float32),
        ],
    )(x, W_gcn, degp)


def _ln(v, gamma, beta, eps=1e-5):
    mu = jnp.mean(v, axis=-1, keepdims=True)
    var = jnp.mean((v - mu) * (v - mu), axis=-1, keepdims=True)
    return (v - mu) * lax.rsqrt(var + eps) * gamma + beta


def _tc2_body(sp_ref, hs_ref, dinv_ref, x_ref, bg_ref, w1_ref, b1_ref, w2_ref,
              b2_ref, g1_ref, be1_ref, g2_ref, be2_ref, out_ref):
    s = sp_ref[0] + sp_ref[1]
    agg = dinv_ref[...] * (s + hs_ref[...]) + bg_ref[...]
    xr = x_ref[...] + agg
    xn = _ln(xr, g1_ref[...], be1_ref[...])
    t = jnp.maximum(
        jnp.dot(xn, w1_ref[...], preferred_element_type=jnp.float32) + b1_ref[...],
        0.0)
    ff = jnp.dot(t, w2_ref[...], preferred_element_type=jnp.float32) + b2_ref[...]
    out_ref[...] = _ln(xn + ff, g2_ref[...], be2_ref[...])


EPI_BLOCK = 1000


def _tc_epilogue(sp, hs, dinv2d, x, b_gcn, W1, b1, W2, b2, g1, be1, g2, be2):
    full = lambda shape: pl.BlockSpec(shape, lambda i: tuple(0 for _ in shape))
    return pl.pallas_call(
        _tc2_body,
        grid=(N // EPI_BLOCK,),
        in_specs=[
            pl.BlockSpec((NC, EPI_BLOCK, H), lambda i: (0, i, 0)),
            pl.BlockSpec((EPI_BLOCK, H), lambda i: (i, 0)),
            pl.BlockSpec((EPI_BLOCK, 1), lambda i: (i, 0)),
            pl.BlockSpec((EPI_BLOCK, D), lambda i: (i, 0)),
            full((H,)),
            full((H, FF)),
            full((FF,)),
            full((FF, H)),
            full((H,)),
            full((H,)),
            full((H,)),
            full((H,)),
            full((H,)),
        ],
        out_specs=pl.BlockSpec((EPI_BLOCK, H), lambda i: (i, 0)),
        out_shape=jax.ShapeDtypeStruct((N, H), jnp.float32),
    )(sp, hs, dinv2d, x, b_gcn, W1, b1, W2, b2, g1, be1, g2, be2)


def kernel(x, edge_index, W_gcn, b_gcn, W1, b1, W2, b2, g1, be1, g2, be2):
    ei5 = edge_index.astype(jnp.int32).reshape(
        2, NC * NS, NCHUNKS, CHUNK).transpose(1, 2, 0, 3)

    degp = _sc_degree(ei5)
    hs, dinv2d = _tc_scale(x, W_gcn, degp)
    sp = _sc_scatter(hs, ei5,
                     jnp.zeros((ROWS_PER_TILE, H), jnp.float32))
    return _tc_epilogue(sp, hs, dinv2d, x, b_gcn, W1, b1, W2, b2,
                        g1, be1, g2, be2)

# --- scband reference (transcript-rebuilt; emitter-appended) ---
"""Pipeline reference for scband-gnnlayer-53661321396293 (READ-ONLY COPY).

The authoritative reference and input builder live on the scoring server;
editing this copy changes nothing except your own understanding.
"""

import jax, jax.numpy as jnp
import numpy as np

N = 10000
E = 320000
D = 128
H = 128
FF = 256


def _layer_norm(x, gamma, beta, eps=1e-5):
    mu = jnp.mean(x, axis=-1, keepdims=True)
    var = jnp.var(x, axis=-1, keepdims=True)
    return (x - mu) / jnp.sqrt(var + eps) * gamma + beta


def setup_inputs(seed: int = 0) -> dict:
    key = jax.random.key(seed)
    ks = jax.random.split(key, 10)
    x = jax.random.normal(ks[0], (N, D), dtype=jnp.float32)
    edge_index = jax.random.randint(ks[1], (2, E), 0, N, dtype=jnp.int64)
    W_gcn = jax.random.normal(ks[2], (D, H), dtype=jnp.float32) * (1.0 / np.sqrt(D))
    b_gcn = jnp.zeros((H,), dtype=jnp.float32)
    W1 = jax.random.normal(ks[3], (H, FF), dtype=jnp.float32) * (1.0 / np.sqrt(H))
    b1 = jnp.zeros((FF,), dtype=jnp.float32)
    W2 = jax.random.normal(ks[4], (FF, H), dtype=jnp.float32) * (1.0 / np.sqrt(FF))
    b2 = jnp.zeros((H,), dtype=jnp.float32)
    g1 = jnp.ones((H,), dtype=jnp.float32)
    be1 = jnp.zeros((H,), dtype=jnp.float32)
    g2 = jnp.ones((H,), dtype=jnp.float32)
    be2 = jnp.zeros((H,), dtype=jnp.float32)
    return {"x": x, "edge_index": edge_index, "W_gcn": W_gcn, "b_gcn": b_gcn,
            "W1": W1, "b1": b1, "W2": W2, "b2": b2,
            "g1": g1, "be1": be1, "g2": g2, "be2": be2}


def reference(x, edge_index, W_gcn, b_gcn, W1, b1, W2, b2, g1, be1, g2, be2):
    n = x.shape[0]
    src = edge_index[0]
    dst = edge_index[1]
    # GCNConv with self-loops and symmetric normalization (PyG default)
    loop = jnp.arange(n, dtype=src.dtype)
    src2 = jnp.concatenate([src, loop])
    dst2 = jnp.concatenate([dst, loop])
    h = x @ W_gcn
    deg = jnp.zeros((n,), dtype=x.dtype).at[dst2].add(1.0)
    dinv = jnp.where(deg > 0, 1.0 / jnp.sqrt(deg), 0.0)
    norm = dinv[src2] * dinv[dst2]
    msgs = h[src2] * norm[:, None]
    agg = jax.ops.segment_sum(msgs, dst2, num_segments=n) + b_gcn
    # dropout1 is identity at eval (p=0.0)
    x2 = agg
    # residual (in_channels == hidden_size)
    xr = x + x2
    xn = _layer_norm(xr, g1, be1)
    # FFN block: linear2(dropout(relu(linear1(xn))))
    ff = jnp.maximum(xn @ W1 + b1, 0.0) @ W2 + b2
    out = _layer_norm(xn + ff, g2, be2)
    return out

if __name__ == "__main__":
    import jax
    _d = setup_inputs()
    print(jax.jit(kernel)(*tuple(_d.values())))

</pallas_src>

<mosaic_0001>
#map = affine_map<(d0, d1) -> (0, 0, 0, 0)>
#map1 = affine_map<(d0, d1) -> (0, 0)>
module attributes {stable_mosaic.version = 14 : i64} {
  func.func @_sc_degree(%arg0: i32, %arg1: i32, %arg2: memref<32x100x2x100xi32, #tpu.memory_space<hbm>>, %arg3: memref<2x10240xf32, #tpu.memory_space<hbm>>, %arg4: memref<100x2x100xi32, #tpu.memory_space<vmem>>, %arg5: memref<112xf32, #tpu.memory_space<vmem>>, %arg6: memref<640xf32, #tpu.memory_space<vmem>>, %arg7: memref<!tpu.dma_semaphore, #tpu.memory_space<semaphore_mem>>, %arg8: memref<10240xf32, #tpu.memory_space<vmem_shared>>) attributes {dimension_semantics = [#tpu.dimension_semantics<core_parallel>, #tpu.dimension_semantics<subcore_parallel>], iteration_bounds = array<i64: 2, 16>, scalar_prefetch = 0 : i64, scratch_operands = 5 : i64, tpu.core_type = #tpu.core_type<sc_vector_subcore>, window_params = [{transform_indices = #map}, {transform_indices = #map1}]} {
    %mul3A = arith.constant 16 : i32
    %mul3A_0 = arith.muli %arg0, %mul3A : i32
    %add3A = arith.addi %mul3A_0, %arg1 : i32
    %scan3A = arith.constant 0 : i32
    %scan3A_1 = arith.constant 0 : i32
    %scan3A_2 = arith.constant 7 : i32
    %scan3A_3 = arith.addi %scan3A_1, %scan3A_2 : i32
    %scan3A_4 = arith.constant 1 : i32
    scf.for %scan3A_31 = %scan3A_1 to %scan3A_3 step %scan3A_4  : i32 {
      %broadcast_in_dim3A = arith.constant 1.000000e+00 : f32
      %broadcast_in_dim3A_32 = vector.broadcast %broadcast_in_dim3A : f32 to vector<16xf32>
      %mul3A_33 = arith.constant 16 : i32
      %mul3A_34 = arith.muli %scan3A_31, %mul3A_33 : i32
      %swap3A = arith.index_cast %mul3A_34 : i32 to index
      %swap3A_35 = tpu.vector_load %arg5[%swap3A] {strides = array<i32>} : memref<112xf32, #tpu.memory_space<vmem>>, vector<16xf32>,
      %swap3A_36 = vector.shape_cast %swap3A_35 : vector<16xf32> to vector<16xf32>
      %swap3A_37 = vector.shape_cast %broadcast_in_dim3A_32 : vector<16xf32> to vector<16xf32>
      tpu.vector_store %arg5[%swap3A], %swap3A_37 {strides = array<i32>} : memref<112xf32, #tpu.memory_space<vmem>>, vector<16xf32>,
    }
    %scan3A_5 = arith.constant 7 : i32
    %scan3A_6 = arith.constant 0 : i32
    %scan3A_7 = arith.constant 0 : i32
    %scan3A_8 = arith.constant 40 : i32
    %scan3A_9 = arith.addi %scan3A_7, %scan3A_8 : i32
    %scan3A_10 = arith.constant 1 : i32
    scf.for %scan3A_31 = %scan3A_7 to %scan3A_9 step %scan3A_10  : i32 {
      %broadcast_in_dim3A = arith.constant 0.000000e+00 : f32
      %broadcast_in_dim3A_32 = vector.broadcast %broadcast_in_dim3A : f32 to vector<16xf32>
      %mul3A_33 = arith.constant 16 : i32
      %mul3A_34 = arith.muli %scan3A_31, %mul3A_33 : i32
      %swap3A = arith.index_cast %mul3A_34 : i32 to index
      %swap3A_35 = tpu.vector_load %arg6[%swap3A] {strides = array<i32>} : memref<640xf32, #tpu.memory_space<vmem>>, vector<16xf32>,
      %swap3A_36 = vector.shape_cast %swap3A_35 : vector<16xf32> to vector<16xf32>
      %swap3A_37 = vector.shape_cast %broadcast_in_dim3A_32 : vector<16xf32> to vector<16xf32>
      tpu.vector_store %arg6[%swap3A], %swap3A_37 {strides = array<i32>} : memref<640xf32, #tpu.memory_space<vmem>>, vector<16xf32>,
    }
    %scan3A_11 = arith.constant 40 : i32
    "tpu.region"() ({
      %run_scoped3A = tpu.sem_alloc : memref<!tpu.dma_semaphore, #tpu.memory_space<semaphore_mem>>
      %dma_start3A = arith.constant 0 : i32
      %dma_start3A_31 = arith.constant 0 : i32
      %dma_start3A_32 = arith.constant 0 : i32
      %dma_start3A_33 = tpu.memref_slice %arg2[%add3A, %dma_start3A, %dma_start3A_31, %dma_start3A_32] : memref<32x100x2x100xi32, #tpu.memory_space<hbm>> -> memref<1x100x2x100xi32, #tpu.memory_space<hbm>>
      %dma_start3A_34 = tpu.memref_squeeze %dma_start3A_33 : memref<1x100x2x100xi32, #tpu.memory_space<hbm>> -> memref<100x2x100xi32, #tpu.memory_space<hbm>>
      %dma_start3A_35 = arith.constant 0 : i32
      %dma_start3A_36 = arith.constant 0 : i32
      %dma_start3A_37 = arith.constant 0 : i32
      %dma_start3A_38 = tpu.memref_slice %arg2[%add3A, %dma_start3A_35, %dma_start3A_36, %dma_start3A_37] : memref<32x100x2x100xi32, #tpu.memory_space<hbm>> -> memref<1x100x2x100xi32, #tpu.memory_space<hbm>>
      %dma_start3A_39 = tpu.memref_squeeze %dma_start3A_38 : memref<1x100x2x100xi32, #tpu.memory_space<hbm>> -> memref<100x2x100xi32, #tpu.memory_space<hbm>>
      tpu.enqueue_dma source(%dma_start3A_39 : memref<100x2x100xi32, #tpu.memory_space<hbm>>) target(%arg4 : memref<100x2x100xi32, #tpu.memory_space<vmem>>) target_semaphore(%run_scoped3A : memref<!tpu.dma_semaphore, #tpu.memory_space<semaphore_mem>>)
      %dma_wait3A = arith.constant 0 : i32
      %dma_wait3A_40 = arith.constant 0 : i32
      %dma_wait3A_41 = arith.constant 0 : i32
      %dma_wait3A_42 = tpu.memref_slice %arg2[%add3A, %dma_wait3A, %dma_wait3A_40, %dma_wait3A_41] : memref<32x100x2x100xi32, #tpu.memory_space<hbm>> -> memref<1x100x2x100xi32, #tpu.memory_space<hbm>>
      %dma_wait3A_43 = tpu.memref_squeeze %dma_wait3A_42 : memref<1x100x2x100xi32, #tpu.memory_space<hbm>> -> memref<100x2x100xi32, #tpu.memory_space<hbm>>
      %dma_wait3A_44 = arith.constant 0 : i32
      %dma_wait3A_45 = arith.constant 0 : i32
      %dma_wait3A_46 = arith.constant 0 : i32
      %dma_wait3A_47 = tpu.memref_slice %arg2[%add3A, %dma_wait3A_44, %dma_wait3A_45, %dma_wait3A_46] : memref<32x100x2x100xi32, #tpu.memory_space<hbm>> -> memref<1x100x2x100xi32, #tpu.memory_space<hbm>>
      %dma_wait3A_48 = tpu.memref_squeeze %dma_wait3A_47 : memref<1x100x2x100xi32, #tpu.memory_space<hbm>> -> memref<100x2x100xi32, #tpu.memory_space<hbm>>
      tpu.wait_dma2 semaphore(%run_scoped3A : memref<!tpu.dma_semaphore, #tpu.memory_space<semaphore_mem>>) src(%dma_wait3A_48 : memref<100x2x100xi32, #tpu.memory_space<hbm>>) dst(%arg4 : memref<100x2x100xi32, #tpu.memory_space<vmem>>)
      tpu.yield
    }) : () -> ()
    %mul3A_12 = arith.constant 640 : i32
    %mul3A_13 = arith.muli %arg1, %mul3A_12 : i32
    "tpu.region"() ({
      %run_scoped3A = tpu.sem_alloc : memref<!tpu.dma_semaphore, #tpu.memory_space<semaphore_mem>>
      %dma_start3A = tpu.memref_slice %arg8[%mul3A_13] : memref<10240xf32, #tpu.memory_space<vmem_shared>> -> memref<640xf32, #tpu.memory_space<vmem_shared>>
      %dma_start3A_31 = tpu.memref_slice %arg8[%mul3A_13] : memref<10240xf32, #tpu.memory_space<vmem_shared>> -> memref<640xf32, #tpu.memory_space<vmem_shared>>
      tpu.enqueue_dma source(%arg6 : memref<640xf32, #tpu.memory_space<vmem>>) target(%dma_start3A_31 : memref<640xf32, #tpu.memory_space<vmem_shared>>) target_semaphore(%run_scoped3A : memref<!tpu.dma_semaphore, #tpu.memory_space<semaphore_mem>>)
      %dma_wait3A = tpu.memref_slice %arg8[%mul3A_13] : memref<10240xf32, #tpu.memory_space<vmem_shared>> -> memref<640xf32, #tpu.memory_space<vmem_shared>>
      %dma_wait3A_32 = tpu.memref_slice %arg8[%mul3A_13] : memref<10240xf32, #tpu.memory_space<vmem_shared>> -> memref<640xf32, #tpu.memory_space<vmem_shared>>
      tpu.wait_dma2 semaphore(%run_scoped3A : memref<!tpu.dma_semaphore, #tpu.memory_space<semaphore_mem>>) src(%arg6 : memref<640xf32, #tpu.memory_space<vmem>>) dst(%dma_wait3A_32 : memref<640xf32, #tpu.memory_space<vmem_shared>>)
      tpu.yield
    }) : () -> ()
    %barrier3A = arith.constant 0 : index
    tpu.barrier barrier_id(%barrier3A)
    %scan3A_14 = arith.constant 0 : i32
    %scan3A_15 = arith.constant 0 : i32
    %scan3A_16 = arith.constant 100 : i32
    %scan3A_17 = arith.addi %scan3A_15, %scan3A_16 : i32
    %scan3A_18 = arith.constant 1 : i32
    scf.for %scan3A_31 = %scan3A_15 to %scan3A_17 step %scan3A_18  : i32 {
      %dma_start3A = arith.constant 1 : i32
      %dma_start3A_32 = arith.constant 0 : i32
      %dma_start3A_33 = tpu.memref_slice %arg5[%dma_start3A_32] : memref<112xf32, #tpu.memory_space<vmem>> -> memref<100xf32, #tpu.memory_space<vmem>>
      %dma_start3A_34 = arith.constant 0 : i32
      %dma_start3A_35 = tpu.memref_slice %arg4[%scan3A_31, %dma_start3A, %dma_start3A_34] : memref<100x2x100xi32, #tpu.memory_space<vmem>> -> memref<1x1x100xi32, #tpu.memory_space<vmem>>
      %dma_start3A_36 = tpu.memref_squeeze %dma_start3A_35 : memref<1x1x100xi32, #tpu.memory_space<vmem>> -> memref<100xi32, #tpu.memory_space<vmem>>
      %dma_start3A_37 = arith.constant 0 : i32
      %dma_start3A_38 = tpu.memref_slice %arg8[%dma_start3A_37] : memref<10240xf32, #tpu.memory_space<vmem_shared>> -> memref<10240xf32, #tpu.memory_space<vmem_shared>>
      tpu.enqueue_indirect_dma source(%dma_start3A_33 : memref<100xf32, #tpu.memory_space<vmem>>) target(%dma_start3A_38 : memref<10240xf32, #tpu.memory_space<vmem_shared>>) offsets(%dma_start3A_36 : memref<100xi32, #tpu.memory_space<vmem>>) semaphore(%arg7 : memref<!tpu.dma_semaphore, #tpu.memory_space<semaphore_mem>>) {add = true}
    }
    %scan3A_19 = arith.constant 100 : i32
    %scan3A_20 = arith.constant 0 : i32
    %scan3A_21 = arith.constant 0 : i32
    %scan3A_22 = arith.constant 100 : i32
    %scan3A_23 = arith.addi %scan3A_21, %scan3A_22 : i32
    %scan3A_24 = arith.constant 1 : i32
    scf.for %scan3A_31 = %scan3A_21 to %scan3A_23 step %scan3A_24  : i32 {
      %dma_wait3A = arith.constant 1 : i32
      %dma_wait3A_32 = arith.constant 0 : i32
      %dma_wait3A_33 = tpu.memref_slice %arg5[%dma_wait3A_32] : memref<112xf32, #tpu.memory_space<vmem>> -> memref<100xf32, #tpu.memory_space<vmem>>
      %dma_wait3A_34 = arith.constant 0 : i32
      %dma_wait3A_35 = tpu.memref_slice %arg4[%scan3A_31, %dma_wait3A, %dma_wait3A_34] : memref<100x2x100xi32, #tpu.memory_space<vmem>> -> memref<1x1x100xi32, #tpu.memory_space<vmem>>
      %dma_wait3A_36 = tpu.memref_squeeze %dma_wait3A_35 : memref<1x1x100xi32, #tpu.memory_space<vmem>> -> memref<100xi32, #tpu.memory_space<vmem>>
      %dma_wait3A_37 = arith.constant 0 : i32
      %dma_wait3A_38 = tpu.memref_slice %arg8[%dma_wait3A_37] : memref<10240xf32, #tpu.memory_space<vmem_shared>> -> memref<10240xf32, #tpu.memory_space<vmem_shared>>
      tpu.wait_indirect_dma semaphore(%arg7 : memref<!tpu.dma_semaphore, #tpu.memory_space<semaphore_mem>>) src(%dma_wait3A_33 : memref<100xf32, #tpu.memory_space<vmem>>) dst(%dma_wait3A_38 : memref<10240xf32, #tpu.memory_space<vmem_shared>>)
    }
    %scan3A_25 = arith.constant 100 : i32
    %barrier3A_26 = arith.constant 0 : index
    tpu.barrier barrier_id(%barrier3A_26)
    %mul3A_27 = arith.constant 640 : i32
    %mul3A_28 = arith.muli %arg1, %mul3A_27 : i32
    %mul3A_29 = arith.constant 640 : i32
    %mul3A_30 = arith.muli %arg1, %mul3A_29 : i32
    "tpu.region"() ({
      %run_scoped3A = tpu.sem_alloc : memref<!tpu.dma_semaphore, #tpu.memory_space<semaphore_mem>>
      %dma_start3A = tpu.memref_slice %arg3[%arg0, %mul3A_30] : memref<2x10240xf32, #tpu.memory_space<hbm>> -> memref<1x640xf32, #tpu.memory_space<hbm>>
      %dma_start3A_31 = tpu.memref_squeeze %dma_start3A : memref<1x640xf32, #tpu.memory_space<hbm>> -> memref<640xf32, #tpu.memory_space<hbm>>
      %dma_start3A_32 = tpu.memref_slice %arg8[%mul3A_28] : memref<10240xf32, #tpu.memory_space<vmem_shared>> -> memref<640xf32, #tpu.memory_space<vmem_shared>>
      tpu.enqueue_dma source(%dma_start3A_32 : memref<640xf32, #tpu.memory_space<vmem_shared>>) target(%dma_start3A_31 : memref<640xf32, #tpu.memory_space<hbm>>) target_semaphore(%run_scoped3A : memref<!tpu.dma_semaphore, #tpu.memory_space<semaphore_mem>>)
      %dma_wait3A = tpu.memref_slice %arg3[%arg0, %mul3A_30] : memref<2x10240xf32, #tpu.memory_space<hbm>> -> memref<1x640xf32, #tpu.memory_space<hbm>>
      %dma_wait3A_33 = tpu.memref_squeeze %dma_wait3A : memref<1x640xf32, #tpu.memory_space<hbm>> -> memref<640xf32, #tpu.memory_space<hbm>>
      %dma_wait3A_34 = tpu.memref_slice %arg8[%mul3A_28] : memref<10240xf32, #tpu.memory_space<vmem_shared>> -> memref<640xf32, #tpu.memory_space<vmem_shared>>
      tpu.wait_dma2 semaphore(%run_scoped3A : memref<!tpu.dma_semaphore, #tpu.memory_space<semaphore_mem>>) src(%dma_wait3A_34 : memref<640xf32, #tpu.memory_space<vmem_shared>>) dst(%dma_wait3A_33 : memref<640xf32, #tpu.memory_space<hbm>>)
      tpu.yield
    }) : () -> ()
    return
  }
}

#map = affine_map<(d0, d1) -> (0, 0)>
#map1 = affine_map<(d0, d1) -> (0, 0, 0, 0)>
#map2 = affine_map<(d0, d1) -> (0, 0, 0)>
module attributes {stable_mosaic.version = 14 : i64} {
  func.func @_sc_scatter(%arg0: i32, %arg1: i32, %arg2: memref<10000x128xf32, #tpu.memory_space<hbm>>, %arg3: memref<32x100x2x100xi32, #tpu.memory_space<hbm>>, %arg4: memref<632x128xf32, #tpu.memory_space<hbm>>, %arg5: memref<2x10112x128xf32, #tpu.memory_space<hbm>>, %arg6: memref<8x2x100xi32, #tpu.memory_space<vmem>>, %arg7: memref<3x100x128xf32, #tpu.memory_space<vmem>>, %arg8: memref<!tpu.dma_semaphore, #tpu.memory_space<semaphore_mem>>, %arg9: memref<!tpu.dma_semaphore, #tpu.memory_space<semaphore_mem>>, %arg10: memref<!tpu.dma_semaphore, #tpu.memory_space<semaphore_mem>>, %arg11: memref<10112x128xf32, #tpu.memory_space<vmem_shared>>) attributes {dimension_semantics = [#tpu.dimension_semantics<core_parallel>, #tpu.dimension_semantics<subcore_parallel>], iteration_bounds = array<i64: 2, 16>, scalar_prefetch = 0 : i64, scratch_operands = 6 : i64, tpu.core_type = #tpu.core_type<sc_vector_subcore>, window_params = [{transform_indices = #map}, {transform_indices = #map1}, {transform_indices = #map}, {transform_indices = #map2}]} {
    %mul3A = arith.constant 16 : i32
    %mul3A_0 = arith.muli %arg0, %mul3A : i32
    %add3A = arith.addi %mul3A_0, %arg1 : i32
    %mul3A_1 = arith.constant 632 : i32
    %mul3A_2 = arith.muli %arg1, %mul3A_1 : i32
    "tpu.region"() ({
      %run_scoped3A_65 = tpu.sem_alloc : memref<!tpu.dma_semaphore, #tpu.memory_space<semaphore_mem>>
      %dma_start3A_66 = arith.constant 0 : i32
      %dma_start3A_67 = tpu.memref_slice %arg11[%mul3A_2, %dma_start3A_66] : memref<10112x128xf32, #tpu.memory_space<vmem_shared>> -> memref<632x128xf32, #tpu.memory_space<vmem_shared>>
      tpu.enqueue_dma source(%arg4 : memref<632x128xf32, #tpu.memory_space<hbm>>) target(%dma_start3A_67 : memref<632x128xf32, #tpu.memory_space<vmem_shared>>) target_semaphore(%run_scoped3A_65 : memref<!tpu.dma_semaphore, #tpu.memory_space<semaphore_mem>>)
      %dma_wait3A = arith.constant 0 : i32
      %dma_wait3A_68 = tpu.memref_slice %arg11[%mul3A_2, %dma_wait3A] : memref<10112x128xf32, #tpu.memory_space<vmem_shared>> -> memref<632x128xf32, #tpu.memory_space<vmem_shared>>
      tpu.wait_dma2 semaphore(%run_scoped3A_65 : memref<!tpu.dma_semaphore, #tpu.memory_space<semaphore_mem>>) src(%arg4 : memref<632x128xf32, #tpu.memory_space<hbm>>) dst(%dma_wait3A_68 : memref<632x128xf32, #tpu.memory_space<vmem_shared>>)
      tpu.yield
    }) : () -> ()
    %run_scoped3A = arith.constant 0 : i32
    %run_scoped3A_3 = arith.constant 0 : i32
    "tpu.region"() ({
      %run_scoped3A_65 = tpu.sem_alloc : memref<!tpu.dma_semaphore, #tpu.memory_space<semaphore_mem>>
      %dma_start3A_66 = arith.constant 0 : i32
      %dma_start3A_67 = arith.constant 0 : i32
      %dma_start3A_68 = tpu.memref_slice %arg6[%run_scoped3A_3, %dma_start3A_66, %dma_start3A_67] : memref<8x2x100xi32, #tpu.memory_space<vmem>> -> memref<1x2x100xi32, #tpu.memory_space<vmem>>
      %dma_start3A_69 = tpu.memref_squeeze %dma_start3A_68 : memref<1x2x100xi32, #tpu.memory_space<vmem>> -> memref<2x100xi32, #tpu.memory_space<vmem>>
      %dma_start3A_70 = arith.constant 0 : i32
      %dma_start3A_71 = arith.constant 0 : i32
      %dma_start3A_72 = tpu.memref_slice %arg3[%add3A, %run_scoped3A, %dma_start3A_70, %dma_start3A_71] : memref<32x100x2x100xi32, #tpu.memory_space<hbm>> -> memref<1x1x2x100xi32, #tpu.memory_space<hbm>>
      %dma_start3A_73 = tpu.memref_squeeze %dma_start3A_72 : memref<1x1x2x100xi32, #tpu.memory_space<hbm>> -> memref<2x100xi32, #tpu.memory_space<hbm>>
      %dma_start3A_74 = arith.constant 0 : i32
      %dma_start3A_75 = arith.constant 0 : i32
      %dma_start3A_76 = tpu.memref_slice %arg6[%run_scoped3A_3, %dma_start3A_74, %dma_start3A_75] : memref<8x2x100xi32, #tpu.memory_space<vmem>> -> memref<1x2x100xi32, #tpu.memory_space<vmem>>
      %dma_start3A_77 = tpu.memref_squeeze %dma_start3A_76 : memref<1x2x100xi32, #tpu.memory_space<vmem>> -> memref<2x100xi32, #tpu.memory_space<vmem>>
      %dma_start3A_78 = arith.constant 0 : i32
      %dma_start3A_79 = arith.constant 0 : i32
      %dma_start3A_80 = tpu.memref_slice %arg3[%add3A, %run_scoped3A, %dma_start3A_78, %dma_start3A_79] : memref<32x100x2x100xi32, #tpu.memory_space<hbm>> -> memref<1x1x2x100xi32, #tpu.memory_space<hbm>>
      %dma_start3A_81 = tpu.memref_squeeze %dma_start3A_80 : memref<1x1x2x100xi32, #tpu.memory_space<hbm>> -> memref<2x100xi32, #tpu.memory_space<hbm>>
      tpu.enqueue_dma source(%dma_start3A_81 : memref<2x100xi32, #tpu.memory_space<hbm>>) target(%dma_start3A_77 : memref<2x100xi32, #tpu.memory_space<vmem>>) target_semaphore(%run_scoped3A_65 : memref<!tpu.dma_semaphore, #tpu.memory_space<semaphore_mem>>)
      %dma_wait3A = arith.constant 0 : i32
      %dma_wait3A_82 = arith.constant 0 : i32
      %dma_wait3A_83 = tpu.memref_slice %arg6[%run_scoped3A_3, %dma_wait3A, %dma_wait3A_82] : memref<8x2x100xi32, #tpu.memory_space<vmem>> -> memref<1x2x100xi32, #tpu.memory_space<vmem>>
      %dma_wait3A_84 = tpu.memref_squeeze %dma_wait3A_83 : memref<1x2x100xi32, #tpu.memory_space<vmem>> -> memref<2x100xi32, #tpu.memory_space<vmem>>
      %dma_wait3A_85 = arith.constant 0 : i32
      %dma_wait3A_86 = arith.constant 0 : i32
      %dma_wait3A_87 = tpu.memref_slice %arg3[%add3A, %run_scoped3A, %dma_wait3A_85, %dma_wait3A_86] : memref<32x100x2x100xi32, #tpu.memory_space<hbm>> -> memref<1x1x2x100xi32, #tpu.memory_space<hbm>>
      %dma_wait3A_88 = tpu.memref_squeeze %dma_wait3A_87 : memref<1x1x2x100xi32, #tpu.memory_space<hbm>> -> memref<2x100xi32, #tpu.memory_space<hbm>>
      %dma_wait3A_89 = arith.constant 0 : i32
      %dma_wait3A_90 = arith.constant 0 : i32
      %dma_wait3A_91 = tpu.memref_slice %arg6[%run_scoped3A_3, %dma_wait3A_89, %dma_wait3A_90] : memref<8x2x100xi32, #tpu.memory_space<vmem>> -> memref<1x2x100xi32, #tpu.memory_space<vmem>>
      %dma_wait3A_92 = tpu.memref_squeeze %dma_wait3A_91 : memref<1x2x100xi32, #tpu.memory_space<vmem>> -> memref<2x100xi32, #tpu.memory_space<vmem>>
      %dma_wait3A_93 = arith.constant 0 : i32
      %dma_wait3A_94 = arith.constant 0 : i32
      %dma_wait3A_95 = tpu.memref_slice %arg3[%add3A, %run_scoped3A, %dma_wait3A_93, %dma_wait3A_94] : memref<32x100x2x100xi32, #tpu.memory_space<hbm>> -> memref<1x1x2x100xi32, #tpu.memory_space<hbm>>
      %dma_wait3A_96 = tpu.memref_squeeze %dma_wait3A_95 : memref<1x1x2x100xi32, #tpu.memory_space<hbm>> -> memref<2x100xi32, #tpu.memory_space<hbm>>
      tpu.wait_dma2 semaphore(%run_scoped3A_65 : memref<!tpu.dma_semaphore, #tpu.memory_space<semaphore_mem>>) src(%dma_wait3A_96 : memref<2x100xi32, #tpu.memory_space<hbm>>) dst(%dma_wait3A_92 : memref<2x100xi32, #tpu.memory_space<vmem>>)
      tpu.yield
    }) : () -> ()
    %dma_start3A = arith.constant 0 : i32
    %dma_start3A_4 = arith.constant 0 : i32
    %dma_start3A_5 = arith.constant 0 : i32
    %dma_start3A_6 = arith.constant 0 : i32
    %dma_start3A_7 = arith.constant 0 : i32
    %dma_start3A_8 = tpu.memref_slice %arg7[%dma_start3A_5, %dma_start3A_6, %dma_start3A_7] : memref<3x100x128xf32, #tpu.memory_space<vmem>> -> memref<1x100x128xf32, #tpu.memory_space<vmem>>
    %dma_start3A_9 = tpu.memref_squeeze %dma_start3A_8 : memref<1x100x128xf32, #tpu.memory_space<vmem>> -> memref<100x128xf32, #tpu.memory_space<vmem>>
    %dma_start3A_10 = arith.constant 0 : i32
    %dma_start3A_11 = tpu.memref_slice %arg6[%dma_start3A, %dma_start3A_4, %dma_start3A_10] : memref<8x2x100xi32, #tpu.memory_space<vmem>> -> memref<1x1x100xi32, #tpu.memory_space<vmem>>
    %dma_start3A_12 = tpu.memref_squeeze %dma_start3A_11 : memref<1x1x100xi32, #tpu.memory_space<vmem>> -> memref<100xi32, #tpu.memory_space<vmem>>
    %dma_start3A_13 = arith.constant 0 : i32
    %dma_start3A_14 = arith.constant 0 : i32
    %dma_start3A_15 = tpu.memref_slice %arg2[%dma_start3A_13, %dma_start3A_14] : memref<10000x128xf32, #tpu.memory_space<hbm>> -> memref<10000x128xf32, #tpu.memory_space<hbm>>
    tpu.enqueue_indirect_dma source(%dma_start3A_15 : memref<10000x128xf32, #tpu.memory_space<hbm>>) target(%dma_start3A_9 : memref<100x128xf32, #tpu.memory_space<vmem>>) offsets(%dma_start3A_12 : memref<100xi32, #tpu.memory_space<vmem>>) semaphore(%arg9 : memref<!tpu.dma_semaphore, #tpu.memory_space<semaphore_mem>>)
    %run_scoped3A_16 = arith.constant 1 : i32
    %run_scoped3A_17 = arith.constant 1 : i32
    "tpu.region"() ({
      %run_scoped3A_65 = tpu.sem_alloc : memref<!tpu.dma_semaphore, #tpu.memory_space<semaphore_mem>>
      %dma_start3A_66 = arith.constant 0 : i32
      %dma_start3A_67 = arith.constant 0 : i32
      %dma_start3A_68 = tpu.memref_slice %arg6[%run_scoped3A_17, %dma_start3A_66, %dma_start3A_67] : memref<8x2x100xi32, #tpu.memory_space<vmem>> -> memref<1x2x100xi32, #tpu.memory_space<vmem>>
      %dma_start3A_69 = tpu.memref_squeeze %dma_start3A_68 : memref<1x2x100xi32, #tpu.memory_space<vmem>> -> memref<2x100xi32, #tpu.memory_space<vmem>>
      %dma_start3A_70 = arith.constant 0 : i32
      %dma_start3A_71 = arith.constant 0 : i32
      %dma_start3A_72 = tpu.memref_slice %arg3[%add3A, %run_scoped3A_16, %dma_start3A_70, %dma_start3A_71] : memref<32x100x2x100xi32, #tpu.memory_space<hbm>> -> memref<1x1x2x100xi32, #tpu.memory_space<hbm>>
      %dma_start3A_73 = tpu.memref_squeeze %dma_start3A_72 : memref<1x1x2x100xi32, #tpu.memory_space<hbm>> -> memref<2x100xi32, #tpu.memory_space<hbm>>
      %dma_start3A_74 = arith.constant 0 : i32
      %dma_start3A_75 = arith.constant 0 : i32
      %dma_start3A_76 = tpu.memref_slice %arg6[%run_scoped3A_17, %dma_start3A_74, %dma_start3A_75] : memref<8x2x100xi32, #tpu.memory_space<vmem>> -> memref<1x2x100xi32, #tpu.memory_space<vmem>>
      %dma_start3A_77 = tpu.memref_squeeze %dma_start3A_76 : memref<1x2x100xi32, #tpu.memory_space<vmem>> -> memref<2x100xi32, #tpu.memory_space<vmem>>
      %dma_start3A_78 = arith.constant 0 : i32
      %dma_start3A_79 = arith.constant 0 : i32
      %dma_start3A_80 = tpu.memref_slice %arg3[%add3A, %run_scoped3A_16, %dma_start3A_78, %dma_start3A_79] : memref<32x100x2x100xi32, #tpu.memory_space<hbm>> -> memref<1x1x2x100xi32, #tpu.memory_space<hbm>>
      %dma_start3A_81 = tpu.memref_squeeze %dma_start3A_80 : memref<1x1x2x100xi32, #tpu.memory_space<hbm>> -> memref<2x100xi32, #tpu.memory_space<hbm>>
      tpu.enqueue_dma source(%dma_start3A_81 : memref<2x100xi32, #tpu.memory_space<hbm>>) target(%dma_start3A_77 : memref<2x100xi32, #tpu.memory_space<vmem>>) target_semaphore(%run_scoped3A_65 : memref<!tpu.dma_semaphore, #tpu.memory_space<semaphore_mem>>)
      %dma_wait3A = arith.constant 0 : i32
      %dma_wait3A_82 = arith.constant 0 : i32
      %dma_wait3A_83 = tpu.memref_slice %arg6[%run_scoped3A_17, %dma_wait3A, %dma_wait3A_82] : memref<8x2x100xi32, #tpu.memory_space<vmem>> -> memref<1x2x100xi32, #tpu.memory_space<vmem>>
      %dma_wait3A_84 = tpu.memref_squeeze %dma_wait3A_83 : memref<1x2x100xi32, #tpu.memory_space<vmem>> -> memref<2x100xi32, #tpu.memory_space<vmem>>
      %dma_wait3A_85 = arith.constant 0 : i32
      %dma_wait3A_86 = arith.constant 0 : i32
      %dma_wait3A_87 = tpu.memref_slice %arg3[%add3A, %run_scoped3A_16, %dma_wait3A_85, %dma_wait3A_86] : memref<32x100x2x100xi32, #tpu.memory_space<hbm>> -> memref<1x1x2x100xi32, #tpu.memory_space<hbm>>
      %dma_wait3A_88 = tpu.memref_squeeze %dma_wait3A_87 : memref<1x1x2x100xi32, #tpu.memory_space<hbm>> -> memref<2x100xi32, #tpu.memory_space<hbm>>
      %dma_wait3A_89 = arith.constant 0 : i32
      %dma_wait3A_90 = arith.constant 0 : i32
      %dma_wait3A_91 = tpu.memref_slice %arg6[%run_scoped3A_17, %dma_wait3A_89, %dma_wait3A_90] : memref<8x2x100xi32, #tpu.memory_space<vmem>> -> memref<1x2x100xi32, #tpu.memory_space<vmem>>
      %dma_wait3A_92 = tpu.memref_squeeze %dma_wait3A_91 : memref<1x2x100xi32, #tpu.memory_space<vmem>> -> memref<2x100xi32, #tpu.memory_space<vmem>>
      %dma_wait3A_93 = arith.constant 0 : i32
      %dma_wait3A_94 = arith.constant 0 : i32
      %dma_wait3A_95 = tpu.memref_slice %arg3[%add3A, %run_scoped3A_16, %dma_wait3A_93, %dma_wait3A_94] : memref<32x100x2x100xi32, #tpu.memory_space<hbm>> -> memref<1x1x2x100xi32, #tpu.memory_space<hbm>>
      %dma_wait3A_96 = tpu.memref_squeeze %dma_wait3A_95 : memref<1x1x2x100xi32, #tpu.memory_space<hbm>> -> memref<2x100xi32, #tpu.memory_space<hbm>>
      tpu.wait_dma2 semaphore(%run_scoped3A_65 : memref<!tpu.dma_semaphore, #tpu.memory_space<semaphore_mem>>) src(%dma_wait3A_96 : memref<2x100xi32, #tpu.memory_space<hbm>>) dst(%dma_wait3A_92 : memref<2x100xi32, #tpu.memory_space<vmem>>)
      tpu.yield
    }) : () -> ()
    %dma_start3A_18 = arith.constant 1 : i32
    %dma_start3A_19 = arith.constant 0 : i32
    %dma_start3A_20 = arith.constant 1 : i32
    %dma_start3A_21 = arith.constant 0 : i32
    %dma_start3A_22 = arith.constant 0 : i32
    %dma_start3A_23 = tpu.memref_slice %arg7[%dma_start3A_20, %dma_start3A_21, %dma_start3A_22] : memref<3x100x128xf32, #tpu.memory_space<vmem>> -> memref<1x100x128xf32, #tpu.memory_space<vmem>>
    %dma_start3A_24 = tpu.memref_squeeze %dma_start3A_23 : memref<1x100x128xf32, #tpu.memory_space<vmem>> -> memref<100x128xf32, #tpu.memory_space<vmem>>
    %dma_start3A_25 = arith.constant 0 : i32
    %dma_start3A_26 = tpu.memref_slice %arg6[%dma_start3A_18, %dma_start3A_19, %dma_start3A_25] : memref<8x2x100xi32, #tpu.memory_space<vmem>> -> memref<1x1x100xi32, #tpu.memory_space<vmem>>
    %dma_start3A_27 = tpu.memref_squeeze %dma_start3A_26 : memref<1x1x100xi32, #tpu.memory_space<vmem>> -> memref<100xi32, #tpu.memory_space<vmem>>
    %dma_start3A_28 = arith.constant 0 : i32
    %dma_start3A_29 = arith.constant 0 : i32
    %dma_start3A_30 = tpu.memref_slice %arg2[%dma_start3A_28, %dma_start3A_29] : memref<10000x128xf32, #tpu.memory_space<hbm>> -> memref<10000x128xf32, #tpu.memory_space<hbm>>
    tpu.enqueue_indirect_dma source(%dma_start3A_30 : memref<10000x128xf32, #tpu.memory_space<hbm>>) target(%dma_start3A_24 : memref<100x128xf32, #tpu.memory_space<vmem>>) offsets(%dma_start3A_27 : memref<100xi32, #tpu.memory_space<vmem>>) semaphore(%arg9 : memref<!tpu.dma_semaphore, #tpu.memory_space<semaphore_mem>>)
    %dma_start3A_31 = arith.constant 2 : i32
    %dma_start3A_32 = arith.constant 2 : i32
    %dma_start3A_33 = arith.constant 0 : i32
    %dma_start3A_34 = arith.constant 0 : i32
    %dma_start3A_35 = tpu.memref_slice %arg6[%dma_start3A_32, %dma_start3A_33, %dma_start3A_34] : memref<8x2x100xi32, #tpu.memory_space<vmem>> -> memref<1x2x100xi32, #tpu.memory_space<vmem>>
    %dma_start3A_36 = tpu.memref_squeeze %dma_start3A_35 : memref<1x2x100xi32, #tpu.memory_space<vmem>> -> memref<2x100xi32, #tpu.memory_space<vmem>>
    %dma_start3A_37 = arith.constant 0 : i32
    %dma_start3A_38 = arith.constant 0 : i32
    %dma_start3A_39 = tpu.memref_slice %arg3[%add3A, %dma_start3A_31, %dma_start3A_37, %dma_start3A_38] : memref<32x100x2x100xi32, #tpu.memory_space<hbm>> -> memref<1x1x2x100xi32, #tpu.memory_space<hbm>>
    %dma_start3A_40 = tpu.memref_squeeze %dma_start3A_39 : memref<1x1x2x100xi32, #tpu.memory_space<hbm>> -> memref<2x100xi32, #tpu.memory_space<hbm>>
    %dma_start3A_41 = arith.constant 0 : i32
    %dma_start3A_42 = arith.constant 0 : i32
    %dma_start3A_43 = tpu.memref_slice %arg6[%dma_start3A_32, %dma_start3A_41, %dma_start3A_42] : memref<8x2x100xi32, #tpu.memory_space<vmem>> -> memref<1x2x100xi32, #tpu.memory_space<vmem>>
    %dma_start3A_44 = tpu.memref_squeeze %dma_start3A_43 : memref<1x2x100xi32, #tpu.memory_space<vmem>> -> memref<2x100xi32, #tpu.memory_space<vmem>>
    %dma_start3A_45 = arith.constant 0 : i32
    %dma_start3A_46 = arith.constant 0 : i32
    %dma_start3A_47 = tpu.memref_slice %arg3[%add3A, %dma_start3A_31, %dma_start3A_45, %dma_start3A_46] : memref<32x100x2x100xi32, #tpu.memory_space<hbm>> -> memref<1x1x2x100xi32, #tpu.memory_space<hbm>>
    %dma_start3A_48 = tpu.memref_squeeze %dma_start3A_47 : memref<1x1x2x100xi32, #tpu.memory_space<hbm>> -> memref<2x100xi32, #tpu.memory_space<hbm>>
    tpu.enqueue_dma source(%dma_start3A_48 : memref<2x100xi32, #tpu.memory_space<hbm>>) target(%dma_start3A_44 : memref<2x100xi32, #tpu.memory_space<vmem>>) target_semaphore(%arg8 : memref<!tpu.dma_semaphore, #tpu.memory_space<semaphore_mem>>)
    %barrier3A = arith.constant 0 : index
    tpu.barrier barrier_id(%barrier3A)
    %scan3A = arith.constant 0 : i32
    %scan3A_49 = arith.constant 0 : i32
    %scan3A_50 = arith.constant 100 : i32
    %scan3A_51 = arith.addi %scan3A_49, %scan3A_50 : i32
    %scan3A_52 = arith.constant 1 : i32
    scf.for %scan3A_65 = %scan3A_49 to %scan3A_51 step %scan3A_52  : i32 {
      %rem3A = arith.constant 3 : i32
      %rem3A_66 = arith.remsi %scan3A_65, %rem3A : i32
      %and3A = arith.constant 7 : i32
      %and3A_67 = arith.andi %scan3A_65, %and3A : i32
      %dma_wait3A = arith.constant 0 : i32
      %dma_wait3A_68 = arith.constant 0 : i32
      %dma_wait3A_69 = arith.constant 0 : i32
      %dma_wait3A_70 = tpu.memref_slice %arg7[%rem3A_66, %dma_wait3A_68, %dma_wait3A_69] : memref<3x100x128xf32, #tpu.memory_space<vmem>> -> memref<1x100x128xf32, #tpu.memory_space<vmem>>
      %dma_wait3A_71 = tpu.memref_squeeze %dma_wait3A_70 : memref<1x100x128xf32, #tpu.memory_space<vmem>> -> memref<100x128xf32, #tpu.memory_space<vmem>>
      %dma_wait3A_72 = arith.constant 0 : i32
      %dma_wait3A_73 = tpu.memref_slice %arg6[%and3A_67, %dma_wait3A, %dma_wait3A_72] : memref<8x2x100xi32, #tpu.memory_space<vmem>> -> memref<1x1x100xi32, #tpu.memory_space<vmem>>
      %dma_wait3A_74 = tpu.memref_squeeze %dma_wait3A_73 : memref<1x1x100xi32, #tpu.memory_space<vmem>> -> memref<100xi32, #tpu.memory_space<vmem>>
      %dma_wait3A_75 = arith.constant 0 : i32
      %dma_wait3A_76 = arith.constant 0 : i32
      %dma_wait3A_77 = tpu.memref_slice %arg2[%dma_wait3A_75, %dma_wait3A_76] : memref<10000x128xf32, #tpu.memory_space<hbm>> -> memref<10000x128xf32, #tpu.memory_space<hbm>>
      tpu.wait_indirect_dma semaphore(%arg9 : memref<!tpu.dma_semaphore, #tpu.memory_space<semaphore_mem>>) src(%dma_wait3A_77 : memref<10000x128xf32, #tpu.memory_space<hbm>>) dst(%dma_wait3A_71 : memref<100x128xf32, #tpu.memory_space<vmem>>)
      %dma_start3A_78 = arith.constant 1 : i32
      %dma_start3A_79 = arith.constant 0 : i32
      %dma_start3A_80 = arith.constant 0 : i32
      %dma_start3A_81 = tpu.memref_slice %arg7[%rem3A_66, %dma_start3A_79, %dma_start3A_80] : memref<3x100x128xf32, #tpu.memory_space<vmem>> -> memref<1x100x128xf32, #tpu.memory_space<vmem>>
      %dma_start3A_82 = tpu.memref_squeeze %dma_start3A_81 : memref<1x100x128xf32, #tpu.memory_space<vmem>> -> memref<100x128xf32, #tpu.memory_space<vmem>>
      %dma_start3A_83 = arith.constant 0 : i32
      %dma_start3A_84 = tpu.memref_slice %arg6[%and3A_67, %dma_start3A_78, %dma_start3A_83] : memref<8x2x100xi32, #tpu.memory_space<vmem>> -> memref<1x1x100xi32, #tpu.memory_space<vmem>>
      %dma_start3A_85 = tpu.memref_squeeze %dma_start3A_84 : memref<1x1x100xi32, #tpu.memory_space<vmem>> -> memref<100xi32, #tpu.memory_space<vmem>>
      %dma_start3A_86 = arith.constant 0 : i32
      %dma_start3A_87 = arith.constant 0 : i32
      %dma_start3A_88 = tpu.memref_slice %arg11[%dma_start3A_86, %dma_start3A_87] : memref<10112x128xf32, #tpu.memory_space<vmem_shared>> -> memref<10112x128xf32, #tpu.memory_space<vmem_shared>>
      tpu.enqueue_indirect_dma source(%dma_start3A_82 : memref<100x128xf32, #tpu.memory_space<vmem>>) target(%dma_start3A_88 : memref<10112x128xf32, #tpu.memory_space<vmem_shared>>) offsets(%dma_start3A_85 : memref<100xi32, #tpu.memory_space<vmem>>) semaphore(%arg10 : memref<!tpu.dma_semaphore, #tpu.memory_space<semaphore_mem>>) {add = true}
      %add3A_89 = arith.constant 2 : i32
      %add3A_90 = arith.addi %scan3A_65, %add3A_89 : i32
      %lt3A = arith.constant 100 : i32
      %lt3A_91 = arith.cmpi slt, %add3A_90, %lt3A : i32
      %convert_element_type3A = arith.extui %lt3A_91 : i1 to i32
      %cond3A = arith.constant 0 : i32
      %cond3A_92 = arith.cmpi ne, %convert_element_type3A, %cond3A : i32
      scf.if %cond3A_92 {
        %add3A_102 = arith.constant 2 : i32
        %add3A_103 = arith.addi %scan3A_65, %add3A_102 : i32
        %and3A_104 = arith.constant 7 : i32
        %and3A_105 = arith.andi %add3A_103, %and3A_104 : i32
        %add3A_106 = arith.constant 2 : i32
        %add3A_107 = arith.addi %scan3A_65, %add3A_106 : i32
        %dma_wait3A_108 = arith.constant 0 : i32
        %dma_wait3A_109 = arith.constant 0 : i32
        %dma_wait3A_110 = tpu.memref_slice %arg6[%and3A_105, %dma_wait3A_108, %dma_wait3A_109] : memref<8x2x100xi32, #tpu.memory_space<vmem>> -> memref<1x2x100xi32, #tpu.memory_space<vmem>>
        %dma_wait3A_111 = tpu.memref_squeeze %dma_wait3A_110 : memref<1x2x100xi32, #tpu.memory_space<vmem>> -> memref<2x100xi32, #tpu.memory_space<vmem>>
        %dma_wait3A_112 = arith.constant 0 : i32
        %dma_wait3A_113 = arith.constant 0 : i32
        %dma_wait3A_114 = tpu.memref_slice %arg3[%add3A, %add3A_107, %dma_wait3A_112, %dma_wait3A_113] : memref<32x100x2x100xi32, #tpu.memory_space<hbm>> -> memref<1x1x2x100xi32, #tpu.memory_space<hbm>>
        %dma_wait3A_115 = tpu.memref_squeeze %dma_wait3A_114 : memref<1x1x2x100xi32, #tpu.memory_space<hbm>> -> memref<2x100xi32, #tpu.memory_space<hbm>>
        %dma_wait3A_116 = arith.constant 0 : i32
        %dma_wait3A_117 = arith.constant 0 : i32
        %dma_wait3A_118 = tpu.memref_slice %arg6[%and3A_105, %dma_wait3A_116, %dma_wait3A_117] : memref<8x2x100xi32, #tpu.memory_space<vmem>> -> memref<1x2x100xi32, #tpu.memory_space<vmem>>
        %dma_wait3A_119 = tpu.memref_squeeze %dma_wait3A_118 : memref<1x2x100xi32, #tpu.memory_space<vmem>> -> memref<2x100xi32, #tpu.memory_space<vmem>>
        %dma_wait3A_120 = arith.constant 0 : i32
        %dma_wait3A_121 = arith.constant 0 : i32
        %dma_wait3A_122 = tpu.memref_slice %arg3[%add3A, %add3A_107, %dma_wait3A_120, %dma_wait3A_121] : memref<32x100x2x100xi32, #tpu.memory_space<hbm>> -> memref<1x1x2x100xi32, #tpu.memory_space<hbm>>
        %dma_wait3A_123 = tpu.memref_squeeze %dma_wait3A_122 : memref<1x1x2x100xi32, #tpu.memory_space<hbm>> -> memref<2x100xi32, #tpu.memory_space<hbm>>
        tpu.wait_dma2 semaphore(%arg8 : memref<!tpu.dma_semaphore, #tpu.memory_space<semaphore_mem>>) src(%dma_wait3A_123 : memref<2x100xi32, #tpu.memory_space<hbm>>) dst(%dma_wait3A_119 : memref<2x100xi32, #tpu.memory_space<vmem>>)
        %add3A_124 = arith.constant 2 : i32
        %add3A_125 = arith.addi %scan3A_65, %add3A_124 : i32
        %rem3A_126 = arith.constant 3 : i32
        %rem3A_127 = arith.remsi %add3A_125, %rem3A_126 : i32
        %ge3A = arith.constant 1 : i32
        %ge3A_128 = arith.cmpi sge, %scan3A_65, %ge3A : i32
        %convert_element_type3A_129 = arith.extui %ge3A_128 : i1 to i32
        %cond3A_130 = arith.constant 0 : i32
        %cond3A_131 = arith.cmpi ne, %convert_element_type3A_129, %cond3A_130 : i32
        scf.if %cond3A_131 {
          %sub3A = arith.constant 1 : i32
          %sub3A_143 = arith.subi %scan3A_65, %sub3A : i32
          %and3A_144 = arith.constant 7 : i32
          %and3A_145 = arith.andi %sub3A_143, %and3A_144 : i32
          %dma_wait3A_146 = arith.constant 1 : i32
          %dma_wait3A_147 = arith.constant 0 : i32
          %dma_wait3A_148 = arith.constant 0 : i32
          %dma_wait3A_149 = tpu.memref_slice %arg7[%rem3A_127, %dma_wait3A_147, %dma_wait3A_148] : memref<3x100x128xf32, #tpu.memory_space<vmem>> -> memref<1x100x128xf32, #tpu.memory_space<vmem>>
          %dma_wait3A_150 = tpu.memref_squeeze %dma_wait3A_149 : memref<1x100x128xf32, #tpu.memory_space<vmem>> -> memref<100x128xf32, #tpu.memory_space<vmem>>
          %dma_wait3A_151 = arith.constant 0 : i32
          %dma_wait3A_152 = tpu.memref_slice %arg6[%and3A_145, %dma_wait3A_146, %dma_wait3A_151] : memref<8x2x100xi32, #tpu.memory_space<vmem>> -> memref<1x1x100xi32, #tpu.memory_space<vmem>>
          %dma_wait3A_153 = tpu.memref_squeeze %dma_wait3A_152 : memref<1x1x100xi32, #tpu.memory_space<vmem>> -> memref<100xi32, #tpu.memory_space<vmem>>
          %dma_wait3A_154 = arith.constant 0 : i32
          %dma_wait3A_155 = arith.constant 0 : i32
          %dma_wait3A_156 = tpu.memref_slice %arg11[%dma_wait3A_154, %dma_wait3A_155] : memref<10112x128xf32, #tpu.memory_space<vmem_shared>> -> memref<10112x128xf32, #tpu.memory_space<vmem_shared>>
          tpu.wait_indirect_dma semaphore(%arg10 : memref<!tpu.dma_semaphore, #tpu.memory_space<semaphore_mem>>) src(%dma_wait3A_150 : memref<100x128xf32, #tpu.memory_space<vmem>>) dst(%dma_wait3A_156 : memref<10112x128xf32, #tpu.memory_space<vmem_shared>>)
        } else {
        }
        %dma_start3A_132 = arith.constant 0 : i32
        %dma_start3A_133 = arith.constant 0 : i32
        %dma_start3A_134 = arith.constant 0 : i32
        %dma_start3A_135 = tpu.memref_slice %arg7[%rem3A_127, %dma_start3A_133, %dma_start3A_134] : memref<3x100x128xf32, #tpu.memory_space<vmem>> -> memref<1x100x128xf32, #tpu.memory_space<vmem>>
        %dma_start3A_136 = tpu.memref_squeeze %dma_start3A_135 : memref<1x100x128xf32, #tpu.memory_space<vmem>> -> memref<100x128xf32, #tpu.memory_space<vmem>>
        %dma_start3A_137 = arith.constant 0 : i32
        %dma_start3A_138 = tpu.memref_slice %arg6[%and3A_105, %dma_start3A_132, %dma_start3A_137] : memref<8x2x100xi32, #tpu.memory_space<vmem>> -> memref<1x1x100xi32, #tpu.memory_space<vmem>>
        %dma_start3A_139 = tpu.memref_squeeze %dma_start3A_138 : memref<1x1x100xi32, #tpu.memory_space<vmem>> -> memref<100xi32, #tpu.memory_space<vmem>>
        %dma_start3A_140 = arith.constant 0 : i32
        %dma_start3A_141 = arith.constant 0 : i32
        %dma_start3A_142 = tpu.memref_slice %arg2[%dma_start3A_140, %dma_start3A_141] : memref<10000x128xf32, #tpu.memory_space<hbm>> -> memref<10000x128xf32, #tpu.memory_space<hbm>>
        tpu.enqueue_indirect_dma source(%dma_start3A_142 : memref<10000x128xf32, #tpu.memory_space<hbm>>) target(%dma_start3A_136 : memref<100x128xf32, #tpu.memory_space<vmem>>) offsets(%dma_start3A_139 : memref<100xi32, #tpu.memory_space<vmem>>) semaphore(%arg9 : memref<!tpu.dma_semaphore, #tpu.memory_space<semaphore_mem>>)
      } else {
      }
      %add3A_93 = arith.constant 2 : i32
      %add3A_94 = arith.addi %scan3A_65, %add3A_93 : i32
      %add3A_95 = arith.constant 1 : i32
      %add3A_96 = arith.addi %add3A_94, %add3A_95 : i32
      %lt3A_97 = arith.constant 100 : i32
      %lt3A_98 = arith.cmpi slt, %add3A_96, %lt3A_97 : i32
      %convert_element_type3A_99 = arith.extui %lt3A_98 : i1 to i32
      %cond3A_100 = arith.constant 0 : i32
      %cond3A_101 = arith.cmpi ne, %convert_element_type3A_99, %cond3A_100 : i32
      scf.if %cond3A_101 {
        %add3A_102 = arith.constant 2 : i32
        %add3A_103 = arith.addi %scan3A_65, %add3A_102 : i32
        %add3A_104 = arith.constant 1 : i32
        %add3A_105 = arith.addi %add3A_103, %add3A_104 : i32
        %add3A_106 = arith.constant 2 : i32
        %add3A_107 = arith.addi %scan3A_65, %add3A_106 : i32
        %add3A_108 = arith.constant 1 : i32
        %add3A_109 = arith.addi %add3A_107, %add3A_108 : i32
        %and3A_110 = arith.constant 7 : i32
        %and3A_111 = arith.andi %add3A_109, %and3A_110 : i32
        %dma_start3A_112 = arith.constant 0 : i32
        %dma_start3A_113 = arith.constant 0 : i32
        %dma_start3A_114 = tpu.memref_slice %arg6[%and3A_111, %dma_start3A_112, %dma_start3A_113] : memref<8x2x100xi32, #tpu.memory_space<vmem>> -> memref<1x2x100xi32, #tpu.memory_space<vmem>>
        %dma_start3A_115 = tpu.memref_squeeze %dma_start3A_114 : memref<1x2x100xi32, #tpu.memory_space<vmem>> -> memref<2x100xi32, #tpu.memory_space<vmem>>
        %dma_start3A_116 = arith.constant 0 : i32
        %dma_start3A_117 = arith.constant 0 : i32
        %dma_start3A_118 = tpu.memref_slice %arg3[%add3A, %add3A_105, %dma_start3A_116, %dma_start3A_117] : memref<32x100x2x100xi32, #tpu.memory_space<hbm>> -> memref<1x1x2x100xi32, #tpu.memory_space<hbm>>
        %dma_start3A_119 = tpu.memref_squeeze %dma_start3A_118 : memref<1x1x2x100xi32, #tpu.memory_space<hbm>> -> memref<2x100xi32, #tpu.memory_space<hbm>>
        %dma_start3A_120 = arith.constant 0 : i32
        %dma_start3A_121 = arith.constant 0 : i32
        %dma_start3A_122 = tpu.memref_slice %arg6[%and3A_111, %dma_start3A_120, %dma_start3A_121] : memref<8x2x100xi32, #tpu.memory_space<vmem>> -> memref<1x2x100xi32, #tpu.memory_space<vmem>>
        %dma_start3A_123 = tpu.memref_squeeze %dma_start3A_122 : memref<1x2x100xi32, #tpu.memory_space<vmem>> -> memref<2x100xi32, #tpu.memory_space<vmem>>
        %dma_start3A_124 = arith.constant 0 : i32
        %dma_start3A_125 = arith.constant 0 : i32
        %dma_start3A_126 = tpu.memref_slice %arg3[%add3A, %add3A_105, %dma_start3A_124, %dma_start3A_125] : memref<32x100x2x100xi32, #tpu.memory_space<hbm>> -> memref<1x1x2x100xi32, #tpu.memory_space<hbm>>
        %dma_start3A_127 = tpu.memref_squeeze %dma_start3A_126 : memref<1x1x2x100xi32, #tpu.memory_space<hbm>> -> memref<2x100xi32, #tpu.memory_space<hbm>>
        tpu.enqueue_dma source(%dma_start3A_127 : memref<2x100xi32, #tpu.memory_space<hbm>>) target(%dma_start3A_123 : memref<2x100xi32, #tpu.memory_space<vmem>>) target_semaphore(%arg8 : memref<!tpu.dma_semaphore, #tpu.memory_space<semaphore_mem>>)
      } else {
      }
    }
    %scan3A_53 = arith.constant 100 : i32
    %scan3A_54 = arith.constant 0 : i32
    %scan3A_55 = arith.constant 97 : i32
    %scan3A_56 = arith.constant 3 : i32
    %scan3A_57 = arith.addi %scan3A_55, %scan3A_56 : i32
    %scan3A_58 = arith.constant 1 : i32
    scf.for %scan3A_65 = %scan3A_55 to %scan3A_57 step %scan3A_58  : i32 {
      %rem3A = arith.constant 3 : i32
      %rem3A_66 = arith.remsi %scan3A_65, %rem3A : i32
      %and3A = arith.constant 7 : i32
      %and3A_67 = arith.andi %scan3A_65, %and3A : i32
      %dma_wait3A = arith.constant 1 : i32
      %dma_wait3A_68 = arith.constant 0 : i32
      %dma_wait3A_69 = arith.constant 0 : i32
      %dma_wait3A_70 = tpu.memref_slice %arg7[%rem3A_66, %dma_wait3A_68, %dma_wait3A_69] : memref<3x100x128xf32, #tpu.memory_space<vmem>> -> memref<1x100x128xf32, #tpu.memory_space<vmem>>
      %dma_wait3A_71 = tpu.memref_squeeze %dma_wait3A_70 : memref<1x100x128xf32, #tpu.memory_space<vmem>> -> memref<100x128xf32, #tpu.memory_space<vmem>>
      %dma_wait3A_72 = arith.constant 0 : i32
      %dma_wait3A_73 = tpu.memref_slice %arg6[%and3A_67, %dma_wait3A, %dma_wait3A_72] : memref<8x2x100xi32, #tpu.memory_space<vmem>> -> memref<1x1x100xi32, #tpu.memory_space<vmem>>
      %dma_wait3A_74 = tpu.memref_squeeze %dma_wait3A_73 : memref<1x1x100xi32, #tpu.memory_space<vmem>> -> memref<100xi32, #tpu.memory_space<vmem>>
      %dma_wait3A_75 = arith.constant 0 : i32
      %dma_wait3A_76 = arith.constant 0 : i32
      %dma_wait3A_77 = tpu.memref_slice %arg11[%dma_wait3A_75, %dma_wait3A_76] : memref<10112x128xf32, #tpu.memory_space<vmem_shared>> -> memref<10112x128xf32, #tpu.memory_space<vmem_shared>>
      tpu.wait_indirect_dma semaphore(%arg10 : memref<!tpu.dma_semaphore, #tpu.memory_space<semaphore_mem>>) src(%dma_wait3A_71 : memref<100x128xf32, #tpu.memory_space<vmem>>) dst(%dma_wait3A_77 : memref<10112x128xf32, #tpu.memory_space<vmem_shared>>)
    }
    %scan3A_59 = arith.constant 3 : i32
    %barrier3A_60 = arith.constant 0 : index
    tpu.barrier barrier_id(%barrier3A_60)
    %mul3A_61 = arith.constant 632 : i32
    %mul3A_62 = arith.muli %arg1, %mul3A_61 : i32
    %mul3A_63 = arith.constant 632 : i32
    %mul3A_64 = arith.muli %arg1, %mul3A_63 : i32
    "tpu.region"() ({
      %run_scoped3A_65 = tpu.sem_alloc : memref<!tpu.dma_semaphore, #tpu.memory_space<semaphore_mem>>
      %dma_start3A_66 = arith.constant 0 : i32
      %dma_start3A_67 = tpu.memref_slice %arg5[%arg0, %mul3A_64, %dma_start3A_66] : memref<2x10112x128xf32, #tpu.memory_space<hbm>> -> memref<1x632x128xf32, #tpu.memory_space<hbm>>
      %dma_start3A_68 = tpu.memref_squeeze %dma_start3A_67 : memref<1x632x128xf32, #tpu.memory_space<hbm>> -> memref<632x128xf32, #tpu.memory_space<hbm>>
      %dma_start3A_69 = arith.constant 0 : i32
      %dma_start3A_70 = tpu.memref_slice %arg11[%mul3A_62, %dma_start3A_69] : memref<10112x128xf32, #tpu.memory_space<vmem_shared>> -> memref<632x128xf32, #tpu.memory_space<vmem_shared>>
      tpu.enqueue_dma source(%dma_start3A_70 : memref<632x128xf32, #tpu.memory_space<vmem_shared>>) target(%dma_start3A_68 : memref<632x128xf32, #tpu.memory_space<hbm>>) target_semaphore(%run_scoped3A_65 : memref<!tpu.dma_semaphore, #tpu.memory_space<semaphore_mem>>)
      %dma_wait3A = arith.constant 0 : i32
      %dma_wait3A_71 = tpu.memref_slice %arg5[%arg0, %mul3A_64, %dma_wait3A] : memref<2x10112x128xf32, #tpu.memory_space<hbm>> -> memref<1x632x128xf32, #tpu.memory_space<hbm>>
      %dma_wait3A_72 = tpu.memref_squeeze %dma_wait3A_71 : memref<1x632x128xf32, #tpu.memory_space<hbm>> -> memref<632x128xf32, #tpu.memory_space<hbm>>
      %dma_wait3A_73 = arith.constant 0 : i32
      %dma_wait3A_74 = tpu.memref_slice %arg11[%mul3A_62, %dma_wait3A_73] : memref<10112x128xf32, #tpu.memory_space<vmem_shared>> -> memref<632x128xf32, #tpu.memory_space<vmem_shared>>
      tpu.wait_dma2 semaphore(%run_scoped3A_65 : memref<!tpu.dma_semaphore, #tpu.memory_space<semaphore_mem>>) src(%dma_wait3A_74 : memref<632x128xf32, #tpu.memory_space<vmem_shared>>) dst(%dma_wait3A_72 : memref<632x128xf32, #tpu.memory_space<hbm>>)
      tpu.yield
    }) : () -> ()
    return
  }
}

module attributes {stable_mosaic.version = 14 : i64} {
  func.func @_tc1_body(%arg0: i32, %arg1: memref<1024x128xf32, #tpu.memory_space<vmem>>, %arg2: memref<128x128xf32, #tpu.memory_space<vmem>>, %arg3: memref<2x1024xf32, #tpu.memory_space<vmem>>, %arg4: memref<1024x128xf32, #tpu.memory_space<vmem>>, %arg5: memref<1024x1xf32, #tpu.memory_space<vmem>>) attributes {dimension_semantics = [#tpu.dimension_semantics<arbitrary>], iteration_bounds = array<i64: 10>, scalar_prefetch = 0 : i64, scratch_operands = 0 : i64, tpu.core_type = #tpu.core_type<tc>, window_params = [{transform_indices = @transform_0, window_bounds = array<i64: 1024, 128>}, {pipeline_mode = #tpu.pipeline_mode<synchronous>, transform_indices = @transform_1, window_bounds = array<i64: 128, 128>}, {transform_indices = @transform_2, window_bounds = array<i64: 2, 1024>}, {transform_indices = @transform_3, window_bounds = array<i64: 1024, 128>}, {transform_indices = @transform_4, window_bounds = array<i64: 1024, 1>}]} {
    %get3A = arith.constant 0 : index
    %get3A_0 = arith.constant 0 : index
    %get3A_1 = vector.load %arg1[%get3A, %get3A_0] : memref<1024x128xf32, #tpu.memory_space<vmem>>, vector<1024x128xf32>
    %get3A_2 = arith.constant 0 : index
    %get3A_3 = arith.constant 0 : index
    %get3A_4 = vector.load %arg2[%get3A_2, %get3A_3] : memref<128x128xf32, #tpu.memory_space<vmem>>, vector<128x128xf32>
    %dot_general3A = arith.constant dense<0.000000e+00> : vector<1024x128xf32>
    %dot_general3A_5 = tpu.matmul %get3A_1, %get3A_4, %dot_general3A {dimension_numbers = #tpu.dot_dimension_numbers<[1], [0], [0], [1], [0, 0, 1, 1], [], []>, transpose_lhs_hint = false} : vector<1024x128xf32>, vector<128x128xf32>, vector<1024x128xf32> -> vector<1024x128xf32>
    %get3A_6 = arith.constant 0 : index
    %get3A_7 = arith.constant 0 : index
    %get3A_8 = vector.load %arg3[%get3A_6, %get3A_7] : memref<2x1024xf32, #tpu.memory_space<vmem>>, vector<2x1024xf32>
    %slice3A = vector.extract_strided_slice %get3A_8 {offsets = [0, 0], sizes = [1, 1024], strides = [1, 1]} : vector<2x1024xf32> to vector<1x1024xf32>
    %squeeze3A = vector.shape_cast %slice3A : vector<1x1024xf32> to vector<1024xf32>
    %slice3A_9 = vector.extract_strided_slice %get3A_8 {offsets = [1, 0], sizes = [1, 1024], strides = [1, 1]} : vector<2x1024xf32> to vector<1x1024xf32>
    %squeeze3A_10 = vector.shape_cast %slice3A_9 : vector<1x1024xf32> to vector<1024xf32>
    %add3A = arith.addf %squeeze3A, %squeeze3A_10 : vector<1024xf32>
    %add3A_11 = arith.constant 1.000000e+00 : f32
    %add3A_12 = vector.broadcast %add3A_11 : f32 to vector<1024xf32>
    %add3A_13 = arith.addf %add3A, %add3A_12 : vector<1024xf32>
    %rsqrt3A = math.rsqrt %add3A_13 : vector<1024xf32>
    %broadcast_in_dim3A = vector.shape_cast %rsqrt3A : vector<1024xf32> to vector<1024x1xf32>
    %mul3A = vector.broadcast %broadcast_in_dim3A : vector<1024x1xf32> to vector<1024x128xf32>
    %mul3A_14 = arith.mulf %dot_general3A_5, %mul3A : vector<1024x128xf32>
    %swap3A = arith.constant 0 : index
    %swap3A_15 = arith.constant 0 : index
    %swap3A_16 = vector.load %arg4[%swap3A, %swap3A_15] : memref<1024x128xf32, #tpu.memory_space<vmem>>, vector<1024x128xf32>
    tpu.vector_store %arg4[%swap3A, %swap3A_15], %mul3A_14 {strides = array<i32>} : memref<1024x128xf32, #tpu.memory_space<vmem>>, vector<1024x128xf32>,
    %swap3A_17 = arith.constant 0 : index
    %swap3A_18 = arith.constant 0 : index
    %swap3A_19 = vector.load %arg5[%swap3A_17, %swap3A_18] : memref<1024x1xf32, #tpu.memory_space<vmem>>, vector<1024x1xf32>
    tpu.vector_store %arg5[%swap3A_17, %swap3A_18], %broadcast_in_dim3A {strides = array<i32>} : memref<1024x1xf32, #tpu.memory_space<vmem>>, vector<1024x1xf32>,
    return
  }
  func.func @transform_0(%arg0: i32) -> (i32, i32) {
    %c0_i32 = arith.constant 0 : i32
    %c0_i32_0 = arith.constant 0 : i32
    return %arg0, %c0_i32 : i32, i32
  }
  func.func @transform_1(%arg0: i32) -> (i32, i32) {
    %c0_i32 = arith.constant 0 : i32
    %c0_i32_0 = arith.constant 0 : i32
    %c0_i32_1 = arith.constant 0 : i32
    return %c0_i32, %c0_i32_0 : i32, i32
  }
  func.func @transform_2(%arg0: i32) -> (i32, i32) {
    %c0_i32 = arith.constant 0 : i32
    %c0_i32_0 = arith.constant 0 : i32
    return %c0_i32, %arg0 : i32, i32
  }
  func.func @transform_3(%arg0: i32) -> (i32, i32) {
    %c0_i32 = arith.constant 0 : i32
    %c0_i32_0 = arith.constant 0 : i32
    return %arg0, %c0_i32 : i32, i32
  }
  func.func @transform_4(%arg0: i32) -> (i32, i32) {
    %c0_i32 = arith.constant 0 : i32
    %c0_i32_0 = arith.constant 0 : i32
    return %arg0, %c0_i32 : i32, i32
  }
}

module attributes {stable_mosaic.version = 14 : i64} {
  func.func @_tc2_body(%arg0: i32, %arg1: memref<2x1000x128xf32, #tpu.memory_space<vmem>>, %arg2: memref<1000x128xf32, #tpu.memory_space<vmem>>, %arg3: memref<1000x1xf32, #tpu.memory_space<vmem>>, %arg4: memref<1000x128xf32, #tpu.memory_space<vmem>>, %arg5: memref<128xf32, #tpu.memory_space<vmem>>, %arg6: memref<128x256xf32, #tpu.memory_space<vmem>>, %arg7: memref<256xf32, #tpu.memory_space<vmem>>, %arg8: memref<256x128xf32, #tpu.memory_space<vmem>>, %arg9: memref<128xf32, #tpu.memory_space<vmem>>, %arg10: memref<128xf32, #tpu.memory_space<vmem>>, %arg11: memref<128xf32, #tpu.memory_space<vmem>>, %arg12: memref<128xf32, #tpu.memory_space<vmem>>, %arg13: memref<128xf32, #tpu.memory_space<vmem>>, %arg14: memref<1000x128xf32, #tpu.memory_space<vmem>>) attributes {dimension_semantics = [#tpu.dimension_semantics<arbitrary>], iteration_bounds = array<i64: 10>, scalar_prefetch = 0 : i64, scratch_operands = 0 : i64, tpu.core_type = #tpu.core_type<tc>, window_params = [{transform_indices = @transform_0, window_bounds = array<i64: 2, 1000, 128>}, {transform_indices = @transform_1, window_bounds = array<i64: 1000, 128>}, {transform_indices = @transform_2, window_bounds = array<i64: 1000, 1>}, {transform_indices = @transform_3, window_bounds = array<i64: 1000, 128>}, {pipeline_mode = #tpu.pipeline_mode<synchronous>, transform_indices = @transform_4, window_bounds = array<i64: 128>}, {pipeline_mode = #tpu.pipeline_mode<synchronous>, transform_indices = @transform_5, window_bounds = array<i64: 128, 256>}, {pipeline_mode = #tpu.pipeline_mode<synchronous>, transform_indices = @transform_6, window_bounds = array<i64: 256>}, {pipeline_mode = #tpu.pipeline_mode<synchronous>, transform_indices = @transform_7, window_bounds = array<i64: 256, 128>}, {pipeline_mode = #tpu.pipeline_mode<synchronous>, transform_indices = @transform_8, window_bounds = array<i64: 128>}, {pipeline_mode = #tpu.pipeline_mode<synchronous>, transform_indices = @transform_9, window_bounds = array<i64: 128>}, {pipeline_mode = #tpu.pipeline_mode<synchronous>, transform_indices = @transform_10, window_bounds = array<i64: 128>}, {pipeline_mode = #tpu.pipeline_mode<synchronous>, transform_indices = @transform_11, window_bounds = array<i64: 128>}, {pipeline_mode = #tpu.pipeline_mode<synchronous>, transform_indices = @transform_12, window_bounds = array<i64: 128>}, {transform_indices = @transform_13, window_bounds = array<i64: 1000, 128>}]} {
    %get3A = arith.constant 0 : index
    %get3A_0 = arith.constant 0 : index
    %get3A_1 = arith.constant 0 : index
    %get3A_2 = vector.load %arg1[%get3A, %get3A_0, %get3A_1] : memref<2x1000x128xf32, #tpu.memory_space<vmem>>, vector<1x1000x128xf32>
    %get3A_3 = vector.shape_cast %get3A_2 : vector<1x1000x128xf32> to vector<1000x128xf32>
    %get3A_4 = arith.constant 1 : index
    %get3A_5 = arith.constant 0 : index
    %get3A_6 = arith.constant 0 : index
    %get3A_7 = vector.load %arg1[%get3A_4, %get3A_5, %get3A_6] : memref<2x1000x128xf32, #tpu.memory_space<vmem>>, vector<1x1000x128xf32>
    %get3A_8 = vector.shape_cast %get3A_7 : vector<1x1000x128xf32> to vector<1000x128xf32>
    %add3A = arith.addf %get3A_3, %get3A_8 : vector<1000x128xf32>
    %get3A_9 = arith.constant 0 : index
    %get3A_10 = arith.constant 0 : index
    %get3A_11 = vector.load %arg3[%get3A_9, %get3A_10] : memref<1000x1xf32, #tpu.memory_space<vmem>>, vector<1000x1xf32>
    %get3A_12 = arith.constant 0 : index
    %get3A_13 = arith.constant 0 : index
    %get3A_14 = vector.load %arg2[%get3A_12, %get3A_13] : memref<1000x128xf32, #tpu.memory_space<vmem>>, vector<1000x128xf32>
    %add3A_15 = arith.addf %add3A, %get3A_14 : vector<1000x128xf32>
    %mul3A = vector.broadcast %get3A_11 : vector<1000x1xf32> to vector<1000x128xf32>
    %mul3A_16 = arith.mulf %mul3A, %add3A_15 : vector<1000x128xf32>
    %get3A_17 = arith.constant 0 : index
    %get3A_18 = vector.load %arg5[%get3A_17] : memref<128xf32, #tpu.memory_space<vmem>>, vector<128xf32>
    %broadcast_in_dim3A = vector.shape_cast %get3A_18 : vector<128xf32> to vector<1x128xf32>
    %add3A_19 = vector.broadcast %broadcast_in_dim3A : vector<1x128xf32> to vector<1000x128xf32>
    %add3A_20 = arith.addf %mul3A_16, %add3A_19 : vector<1000x128xf32>
    %get3A_21 = arith.constant 0 : index
    %get3A_22 = arith.constant 0 : index
    %get3A_23 = vector.load %arg4[%get3A_21, %get3A_22] : memref<1000x128xf32, #tpu.memory_space<vmem>>, vector<1000x128xf32>
    %add3A_24 = arith.addf %get3A_23, %add3A_20 : vector<1000x128xf32>
    %get3A_25 = arith.constant 0 : index
    %get3A_26 = vector.load %arg10[%get3A_25] : memref<128xf32, #tpu.memory_space<vmem>>, vector<128xf32>
    %get3A_27 = arith.constant 0 : index
    %get3A_28 = vector.load %arg11[%get3A_27] : memref<128xf32, #tpu.memory_space<vmem>>, vector<128xf32>
    %reduce_sum3A = arith.constant dense<0.000000e+00> : vector<1000xf32>
    %reduce_sum3A_29 = vector.multi_reduction <add>, %add3A_24, %reduce_sum3A [1] : vector<1000x128xf32> to vector<1000xf32>
    %broadcast_in_dim3A_30 = vector.shape_cast %reduce_sum3A_29 : vector<1000xf32> to vector<1000x1xf32>
    %div3A = arith.constant 1.280000e+02 : f32
    %div3A_31 = vector.broadcast %div3A : f32 to vector<1000x1xf32>
    %div3A_32 = arith.divf %broadcast_in_dim3A_30, %div3A_31 : vector<1000x1xf32>
    %sub3A = vector.broadcast %div3A_32 : vector<1000x1xf32> to vector<1000x128xf32>
    %sub3A_33 = arith.subf %add3A_24, %sub3A : vector<1000x128xf32>
    %sub3A_34 = vector.broadcast %div3A_32 : vector<1000x1xf32> to vector<1000x128xf32>
    %sub3A_35 = arith.subf %add3A_24, %sub3A_34 : vector<1000x128xf32>
    %mul3A_36 = arith.mulf %sub3A_33, %sub3A_35 : vector<1000x128xf32>
    %reduce_sum3A_37 = arith.constant dense<0.000000e+00> : vector<1000xf32>
    %reduce_sum3A_38 = vector.multi_reduction <add>, %mul3A_36, %reduce_sum3A_37 [1] : vector<1000x128xf32> to vector<1000xf32>
    %broadcast_in_dim3A_39 = vector.shape_cast %reduce_sum3A_38 : vector<1000xf32> to vector<1000x1xf32>
    %div3A_40 = arith.constant 1.280000e+02 : f32
    %div3A_41 = vector.broadcast %div3A_40 : f32 to vector<1000x1xf32>
    %div3A_42 = arith.divf %broadcast_in_dim3A_39, %div3A_41 : vector<1000x1xf32>
    %sub3A_43 = vector.broadcast %div3A_32 : vector<1000x1xf32> to vector<1000x128xf32>
    %sub3A_44 = arith.subf %add3A_24, %sub3A_43 : vector<1000x128xf32>
    %add3A_45 = arith.constant 9.99999974E-6 : f32
    %add3A_46 = vector.broadcast %add3A_45 : f32 to vector<1000x1xf32>
    %add3A_47 = arith.addf %div3A_42, %add3A_46 : vector<1000x1xf32>
    %rsqrt3A = math.rsqrt %add3A_47 : vector<1000x1xf32>
    %mul3A_48 = vector.broadcast %rsqrt3A : vector<1000x1xf32> to vector<1000x128xf32>
    %mul3A_49 = arith.mulf %sub3A_44, %mul3A_48 : vector<1000x128xf32>
    %broadcast_in_dim3A_50 = vector.shape_cast %get3A_26 : vector<128xf32> to vector<1x128xf32>
    %mul3A_51 = vector.broadcast %broadcast_in_dim3A_50 : vector<1x128xf32> to vector<1000x128xf32>
    %mul3A_52 = arith.mulf %mul3A_49, %mul3A_51 : vector<1000x128xf32>
    %broadcast_in_dim3A_53 = vector.shape_cast %get3A_28 : vector<128xf32> to vector<1x128xf32>
    %add3A_54 = vector.broadcast %broadcast_in_dim3A_53 : vector<1x128xf32> to vector<1000x128xf32>
    %add3A_55 = arith.addf %mul3A_52, %add3A_54 : vector<1000x128xf32>
    %get3A_56 = arith.constant 0 : index
    %get3A_57 = arith.constant 0 : index
    %get3A_58 = vector.load %arg6[%get3A_56, %get3A_57] : memref<128x256xf32, #tpu.memory_space<vmem>>, vector<128x256xf32>
    %dot_general3A = arith.constant dense<0.000000e+00> : vector<1000x256xf32>
    %dot_general3A_59 = tpu.matmul %add3A_55, %get3A_58, %dot_general3A {dimension_numbers = #tpu.dot_dimension_numbers<[1], [0], [0], [1], [0, 0, 1, 1], [], []>, transpose_lhs_hint = false} : vector<1000x128xf32>, vector<128x256xf32>, vector<1000x256xf32> -> vector<1000x256xf32>
    %get3A_60 = arith.constant 0 : index
    %get3A_61 = vector.load %arg7[%get3A_60] : memref<256xf32, #tpu.memory_space<vmem>>, vector<256xf32>
    %broadcast_in_dim3A_62 = vector.shape_cast %get3A_61 : vector<256xf32> to vector<1x256xf32>
    %add3A_63 = vector.broadcast %broadcast_in_dim3A_62 : vector<1x256xf32> to vector<1000x256xf32>
    %add3A_64 = arith.addf %dot_general3A_59, %add3A_63 : vector<1000x256xf32>
    %max3A = arith.constant 0.000000e+00 : f32
    %max3A_65 = vector.broadcast %max3A : f32 to vector<1000x256xf32>
    %max3A_66 = arith.maximumf %add3A_64, %max3A_65 : vector<1000x256xf32>
    %get3A_67 = arith.constant 0 : index
    %get3A_68 = arith.constant 0 : index
    %get3A_69 = vector.load %arg8[%get3A_67, %get3A_68] : memref<256x128xf32, #tpu.memory_space<vmem>>, vector<256x128xf32>
    %dot_general3A_70 = arith.constant dense<0.000000e+00> : vector<1000x128xf32>
    %dot_general3A_71 = tpu.matmul %max3A_66, %get3A_69, %dot_general3A_70 {dimension_numbers = #tpu.dot_dimension_numbers<[1], [0], [0], [1], [0, 0, 1, 1], [], []>, transpose_lhs_hint = false} : vector<1000x256xf32>, vector<256x128xf32>, vector<1000x128xf32> -> vector<1000x128xf32>
    %get3A_72 = arith.constant 0 : index
    %get3A_73 = vector.load %arg9[%get3A_72] : memref<128xf32, #tpu.memory_space<vmem>>, vector<128xf32>
    %broadcast_in_dim3A_74 = vector.shape_cast %get3A_73 : vector<128xf32> to vector<1x128xf32>
    %add3A_75 = vector.broadcast %broadcast_in_dim3A_74 : vector<1x128xf32> to vector<1000x128xf32>
    %add3A_76 = arith.addf %dot_general3A_71, %add3A_75 : vector<1000x128xf32>
    %add3A_77 = arith.addf %add3A_55, %add3A_76 : vector<1000x128xf32>
    %get3A_78 = arith.constant 0 : index
    %get3A_79 = vector.load %arg12[%get3A_78] : memref<128xf32, #tpu.memory_space<vmem>>, vector<128xf32>
    %get3A_80 = arith.constant 0 : index
    %get3A_81 = vector.load %arg13[%get3A_80] : memref<128xf32, #tpu.memory_space<vmem>>, vector<128xf32>
    %reduce_sum3A_82 = arith.constant dense<0.000000e+00> : vector<1000xf32>
    %reduce_sum3A_83 = vector.multi_reduction <add>, %add3A_77, %reduce_sum3A_82 [1] : vector<1000x128xf32> to vector<1000xf32>
    %broadcast_in_dim3A_84 = vector.shape_cast %reduce_sum3A_83 : vector<1000xf32> to vector<1000x1xf32>
    %div3A_85 = arith.constant 1.280000e+02 : f32
    %div3A_86 = vector.broadcast %div3A_85 : f32 to vector<1000x1xf32>
    %div3A_87 = arith.divf %broadcast_in_dim3A_84, %div3A_86 : vector<1000x1xf32>
    %sub3A_88 = vector.broadcast %div3A_87 : vector<1000x1xf32> to vector<1000x128xf32>
    %sub3A_89 = arith.subf %add3A_77, %sub3A_88 : vector<1000x128xf32>
    %sub3A_90 = vector.broadcast %div3A_87 : vector<1000x1xf32> to vector<1000x128xf32>
    %sub3A_91 = arith.subf %add3A_77, %sub3A_90 : vector<1000x128xf32>
    %mul3A_92 = arith.mulf %sub3A_89, %sub3A_91 : vector<1000x128xf32>
    %reduce_sum3A_93 = arith.constant dense<0.000000e+00> : vector<1000xf32>
    %reduce_sum3A_94 = vector.multi_reduction <add>, %mul3A_92, %reduce_sum3A_93 [1] : vector<1000x128xf32> to vector<1000xf32>
    %broadcast_in_dim3A_95 = vector.shape_cast %reduce_sum3A_94 : vector<1000xf32> to vector<1000x1xf32>
    %div3A_96 = arith.constant 1.280000e+02 : f32
    %div3A_97 = vector.broadcast %div3A_96 : f32 to vector<1000x1xf32>
    %div3A_98 = arith.divf %broadcast_in_dim3A_95, %div3A_97 : vector<1000x1xf32>
    %sub3A_99 = vector.broadcast %div3A_87 : vector<1000x1xf32> to vector<1000x128xf32>
    %sub3A_100 = arith.subf %add3A_77, %sub3A_99 : vector<1000x128xf32>
    %add3A_101 = arith.constant 9.99999974E-6 : f32
    %add3A_102 = vector.broadcast %add3A_101 : f32 to vector<1000x1xf32>
    %add3A_103 = arith.addf %div3A_98, %add3A_102 : vector<1000x1xf32>
    %rsqrt3A_104 = math.rsqrt %add3A_103 : vector<1000x1xf32>
    %mul3A_105 = vector.broadcast %rsqrt3A_104 : vector<1000x1xf32> to vector<1000x128xf32>
    %mul3A_106 = arith.mulf %sub3A_100, %mul3A_105 : vector<1000x128xf32>
    %broadcast_in_dim3A_107 = vector.shape_cast %get3A_79 : vector<128xf32> to vector<1x128xf32>
    %mul3A_108 = vector.broadcast %broadcast_in_dim3A_107 : vector<1x128xf32> to vector<1000x128xf32>
    %mul3A_109 = arith.mulf %mul3A_106, %mul3A_108 : vector<1000x128xf32>
    %broadcast_in_dim3A_110 = vector.shape_cast %get3A_81 : vector<128xf32> to vector<1x128xf32>
    %add3A_111 = vector.broadcast %broadcast_in_dim3A_110 : vector<1x128xf32> to vector<1000x128xf32>
    %add3A_112 = arith.addf %mul3A_109, %add3A_111 : vector<1000x128xf32>
    %swap3A = arith.constant 0 : index
    %swap3A_113 = arith.constant 0 : index
    %swap3A_114 = vector.load %arg14[%swap3A, %swap3A_113] : memref<1000x128xf32, #tpu.memory_space<vmem>>, vector<1000x128xf32>
    tpu.vector_store %arg14[%swap3A, %swap3A_113], %add3A_112 {strides = array<i32>} : memref<1000x128xf32, #tpu.memory_space<vmem>>, vector<1000x128xf32>,
    return
  }
  func.func @transform_0(%arg0: i32) -> (i32, i32, i32) {
    %c0_i32 = arith.constant 0 : i32
    %c0_i32_0 = arith.constant 0 : i32
    %c0_i32_1 = arith.constant 0 : i32
    return %c0_i32, %arg0, %c0_i32_0 : i32, i32, i32
  }
  func.func @transform_1(%arg0: i32) -> (i32, i32) {
    %c0_i32 = arith.constant 0 : i32
    %c0_i32_0 = arith.constant 0 : i32
    return %arg0, %c0_i32 : i32, i32
  }
  func.func @transform_2(%arg0: i32) -> (i32, i32) {
    %c0_i32 = arith.constant 0 : i32
    %c0_i32_0 = arith.constant 0 : i32
    return %arg0, %c0_i32 : i32, i32
  }
  func.func @transform_3(%arg0: i32) -> (i32, i32) {
    %c0_i32 = arith.constant 0 : i32
    %c0_i32_0 = arith.constant 0 : i32
    return %arg0, %c0_i32 : i32, i32
  }
  func.func @transform_4(%arg0: i32) -> i32 {
    %c0_i32 = arith.constant 0 : i32
    %c0_i32_0 = arith.constant 0 : i32
    return %c0_i32 : i32
  }
  func.func @transform_5(%arg0: i32) -> (i32, i32) {
    %c0_i32 = arith.constant 0 : i32
    %c0_i32_0 = arith.constant 0 : i32
    %c0_i32_1 = arith.constant 0 : i32
    return %c0_i32, %c0_i32_0 : i32, i32
  }
  func.func @transform_6(%arg0: i32) -> i32 {
    %c0_i32 = arith.constant 0 : i32
    %c0_i32_0 = arith.constant 0 : i32
    return %c0_i32 : i32
  }
  func.func @transform_7(%arg0: i32) -> (i32, i32) {
    %c0_i32 = arith.constant 0 : i32
    %c0_i32_0 = arith.constant 0 : i32
    %c0_i32_1 = arith.constant 0 : i32
    return %c0_i32, %c0_i32_0 : i32, i32
  }
  func.func @transform_8(%arg0: i32) -> i32 {
    %c0_i32 = arith.constant 0 : i32
    %c0_i32_0 = arith.constant 0 : i32
    return %c0_i32 : i32
  }
  func.func @transform_9(%arg0: i32) -> i32 {
    %c0_i32 = arith.constant 0 : i32
    %c0_i32_0 = arith.constant 0 : i32
    return %c0_i32 : i32
  }
  func.func @transform_10(%arg0: i32) -> i32 {
    %c0_i32 = arith.constant 0 : i32
    %c0_i32_0 = arith.constant 0 : i32
    return %c0_i32 : i32
  }
  func.func @transform_11(%arg0: i32) -> i32 {
    %c0_i32 = arith.constant 0 : i32
    %c0_i32_0 = arith.constant 0 : i32
    return %c0_i32 : i32
  }
  func.func @transform_12(%arg0: i32) -> i32 {
    %c0_i32 = arith.constant 0 : i32
    %c0_i32_0 = arith.constant 0 : i32
    return %c0_i32 : i32
  }
  func.func @transform_13(%arg0: i32) -> (i32, i32) {
    %c0_i32 = arith.constant 0 : i32
    %c0_i32_0 = arith.constant 0 : i32
    return %arg0, %c0_i32 : i32, i32
  }
}

</mosaic_0001>

<sc_bundles>
// kernel: kernel.6.cloned.1.call-start
scs
__scs_entry_jumppad:
0x0: {  	(pc) =	sbr.rel $0x88, $3  }
0x1: {  	(tag) =	ssettag $0x0;
	lr =	simm.s32 $0x1  }
0x2: {  	[smem:$0x3F95] =	sst lr;
	_ =	strace $0xD0000000  }
0x3: {  	_ = 	snop  }
0x4: {  	_ = 	snop  }
0x5: {  	_ = 	snop  }
0x6: {  	_ = 	snop  }
0x7: {  	_ = 	snop  }
__scs_overlays_trampoline_lowered:
0x8: {  	[smem:$0x3FA4] =	sst s0  }
0x9: {  	[smem:$0x3FA5] =	sst s1  }
0xa: {  	[smem:$0x3FA6] =	sst s2  }
0xb: {  	[smem:$0x3FA7] =	sst s3  }
0xc: {  	[smem:$0x3FA8] =	sst s4  }
0xd: {  	[smem:$0x3FA9] =	sst s5  }
0xe: {  	[smem:$0x3FAA] =	sst s6  }
0xf: {  	[smem:$0x3FAB] =	sst s7  }
0x10: {  	[smem:$0x3FAC] =	sst s8  }
0x11: {  	[smem:$0x3FAD] =	sst s9;
	s0 =	simm.s32 @!p0 $0x0  }
0x12: {  	s1 =	sld [smem:$0x3F93];
	s0 =	simm.s32 @p0 $0x1  }
0x13: {  	[smem:$0x3FAE] =	sst s0;
	s0 =	simm.s32 @!p1 $0x0  }
0x14: {  	s2 =	sld [smem:$0x3F92];
	s0 =	simm.s32 @p1 $0x1  }
0x15: {  	[smem:$0x3FAF] =	sst s0;
	s0 =	simm.s32 @!p2 $0x0  }
0x16: {  	s3 =	sld [smem:$0x3FDB];
	s0 =	simm.s32 @p2 $0x1  }
0x17: {  	s4 =	simm.s32 $0x1BF5;
	[smem:$0x3FB1] =	sst s0  }
0x18: {  	s0 =	sld [smem:$0x3F94];
	_ =	swait.ge [sflag:s4], $0x0  }
0x19: {  	s7 =	sld [smem:$0x3F95]  }
0x1a: {  	s8 =	sadd.s32 $0xFFFFE003, lr  }
0x1b: {  	s9 =	sadd.s32 $0xFFFFFEF7, lr;
	s5 =	simm.s32 $0xFFFFFFFF;
	p2 =	slt.u32 s8, $0xFFFFF086  }
0x1c: {  	p1 =	slt.u32 s9, $0xF7A;
	s5 =	simm.s32 @!p2 $0x0  }
0x1d: {  	s5 =	simm.s32 @p1 $0x1;
	p0 =	seq.s32 s7, s2  }
0x1e: {  	s7 =	smul.u32 @!p0 $0xF7A, s2;
	p2 =	seq.s32 @!p0 s5, $0x0  }
0x1f: {  	s9 =	smul.u32 $0xF7A, s1;
	s8 =	simm.s32 @!p0 $0x1BF5;
	p2 =	por !p2, p0  }
0x20: {  	[sflag:s8] =	ssyncset.s32 @!p0 $0xFFFFF086;
	s6 =	sadd.s32 @!p0 s3, s7;
	s7 =	simm.s32 @!p0 $0x108  }
0x21: {  	s3 =	sadd.s32 s3, s9;
	s6 =	sadd.s32 @!p0 $0x88, s6;
	s7 =	simm.s32 @p2 $0x1082  }
0x22: {  	[simem:s7], [sflag:s8] =	dma.local @!p0 [hbm:s6], $0xF7A  }
0x23: {  	s9 =	sor.u32 $0xD0000000, s2;
	s6 =	simm.s32 $0x108;
	_ =	swait.ge @!p0 [sflag:s8], $0x0  }
0x24: {  	s3 =	sadd.s32 $0x88, s3;
	s6 =	simm.s32 @!p1 $0x1082;
	[sflag:s4] =	ssyncset.s32 $0xFFFFF086  }
0x25: {  	[simem:s6], [sflag:s4] =	dma.local [hbm:s3], $0xF7A  }
0x26: {  	[smem:$0x3F95] =	sst s1;
	(tag) =	ssettag s2;
	_ =	strace s9  }
0x27: {  	s1 =	sld [smem:$0x3FA5]  }
0x28: {  	s2 =	sld [smem:$0x3FA6]  }
0x29: {  	s4 =	sld [smem:$0x3FA8]  }
0x2a: {  	p0 =	seq.s32 s5, $0x0;
	s5 =	sld [smem:$0x3FA9]  }
0x2b: {  	s6 =	sld [smem:$0x3FAA]  }
0x2c: {  	s7 =	sld [smem:$0x3FAB]  }
0x2d: {  	s3 =	simm.s32 $0x108;
	s8 =	sld [smem:$0x3FAC]  }
0x2e: {  	s3 =	simm.s32 @!p0 $0x1082;
	s9 =	sld [smem:$0x3FAD]  }
0x2f: {  	lr =	sadd.s32 s0, s3;
	s0 =	sld [smem:$0x3FA4]  }
0x30: {  	s3 =	sld [smem:$0x3FA7]  }
0x31: {  	[smem:$0x3FB0] =	sst s10  }
0x32: {  	s10 =	sld [smem:$0x3FAE];
	_ =	sdelay $0x3  }
0x33: {  	p0 =	seq.s32 s10, $0x1;
	s10 =	sld [smem:$0x3FB0];
	_ =	sdelay $0x3  }
0x34: {  	[smem:$0x3FB0] =	sst s10  }
0x35: {  	s10 =	sld [smem:$0x3FAF];
	_ =	sdelay $0x3  }
0x36: {  	p1 =	seq.s32 s10, $0x1;
	s10 =	sld [smem:$0x3FB0];
	_ =	sdelay $0x3  }
0x37: {  	[smem:$0x3FB0] =	sst s10  }
0x38: {  	s10 =	sld [smem:$0x3FB1]  }
0x39: {  	_ = 	snop;
	(pc) =	sbr.ind lr, $3  }
0x3a: {  	_ = 	snop  }
0x3b: {  	_ = 	snop  }
0x3c: {  	p2 =	seq.s32 s10, $0x1;
	s10 =	sld [smem:$0x3FB0]  }
0x3d: {  	_ =	shalt  }
0x3e: {  	_ =	shalt  }
0x3f: {  	_ =	shalt  }
0x40: {  	_ =	shalt  }
0x41: {  	_ =	shalt  }
0x42: {  	_ =	shalt  }
0x43: {  	_ =	shalt  }
0x44: {  	_ =	shalt  }
0x45: {  	_ =	shalt  }
0x46: {  	_ =	shalt  }
0x47: {  	_ =	shalt  }
0x48: {  	_ =	shalt  }
0x49: {  	_ =	shalt  }
0x4a: {  	_ =	shalt  }
0x4b: {  	_ =	shalt  }
0x4c: {  	_ =	shalt  }
0x4d: {  	_ =	shalt  }
0x4e: {  	_ =	shalt  }
0x4f: {  	_ =	shalt  }
0x50: {  	_ =	shalt  }
0x51: {  	_ =	shalt  }
0x52: {  	_ =	shalt  }
0x53: {  	_ =	shalt  }
0x54: {  	_ =	shalt  }
0x55: {  	_ =	shalt  }
0x56: {  	_ =	shalt  }
0x57: {  	_ =	shalt  }
0x58: {  	_ =	shalt  }
0x59: {  	_ =	shalt  }
0x5a: {  	_ =	shalt  }
0x5b: {  	_ =	shalt  }
0x5c: {  	_ =	shalt  }
0x5d: {  	_ =	shalt  }
0x5e: {  	_ =	shalt  }
0x5f: {  	_ =	shalt  }
0x60: {  	_ =	shalt  }
0x61: {  	_ =	shalt  }
0x62: {  	_ =	shalt  }
0x63: {  	_ =	shalt  }
0x64: {  	_ =	shalt  }
0x65: {  	_ =	shalt  }
0x66: {  	_ =	shalt  }
0x67: {  	_ =	shalt  }
0x68: {  	_ =	shalt  }
0x69: {  	_ =	shalt  }
0x6a: {  	_ =	shalt  }
0x6b: {  	_ =	shalt  }
0x6c: {  	_ =	shalt  }
0x6d: {  	_ =	shalt  }
0x6e: {  	_ =	shalt  }
0x6f: {  	_ =	shalt  }
0x70: {  	_ =	shalt  }
0x71: {  	_ =	shalt  }
0x72: {  	_ =	shalt  }
0x73: {  	_ =	shalt  }
0x74: {  	_ =	shalt  }
0x75: {  	_ =	shalt  }
0x76: {  	_ =	shalt  }
0x77: {  	_ =	shalt  }
0x78: {  	_ =	shalt  }
0x79: {  	_ =	shalt  }
0x7a: {  	_ =	shalt  }
0x7b: {  	_ =	shalt  }
0x7c: {  	_ =	shalt  }
0x7d: {  	_ =	shalt  }
0x7e: {  	_ =	shalt  }
0x7f: {  	_ =	shalt  }
0x80: {  	_ =	shalt  }
0x81: {  	_ =	shalt  }
0x82: {  	_ =	shalt  }
0x83: {  	_ =	shalt  }
0x84: {  	_ =	shalt  }
0x85: {  	_ =	shalt  }
0x86: {  	_ =	shalt  }
0x87: {  	_ =	shalt  }
.Lfunc_end0:
.L_simem_size_0:
called_computation_lowered:
.L_overlay_start_0:
0x88: {  	s2 =	sld [smem:$0x3FD9]  }
0x89: {  	s3 =	sld [smem:$0x3FFE];
	_ =	sdelay $0x1  }
0x8a: {  	s1 =	srdreg.scid  }
0x8b: {  	s0 =	sand.u32 $0x1, s1  }
0x8c: {  	s17 =	sshll.u32 s0, $0xA;
	s2 =	sadd.s32 s3, s2  }
0x8d: {  	s2 =	sadd.s32 s2, s17  }
0x8e: {  	[smem:$0x3FBC] =	sst s2  }
0x8f: {  	_ = 	snop  }
0x90: {  	s2 =	sld [smem:$0x3FD0];
	(tm) =	ssettm $0x1  }
0x91: {  	s18 =	sld [smem:$0x3FFB];
	_ =	sdelay $0x3  }
0x92: {  	_ =	strace s18  }
0x93: {  	s3 =	sld [smem:$0x3FFC];
	_ =	sdelay $0x3  }
0x94: {  	_ =	strace s3  }
0x95: {  	s3 =	sld [smem:$0x3FFD];
	_ =	sdelay $0x3  }
0x96: {  	_ =	strace s3  }
0x97: {  	_ =	strace $0x8FFFFFFF  }
0x98: {  	s19 =	sld [smem:$0x3FDB];
	_ =	sdelay $0x1  }
0x99: {  	s4 =	simm.s32 $_scs_section_size  }
0x9a: {  	s5 =	simm.s32 $_size__tile_overlayer_lowered;
	s6 =	simm.s32 $_tile_overlayer_lowered  }
0x9b: {  	s22 =	simm.s32 $0x1BFF;
	s21 =	sshll.u32 s6, $0x1;
	s3 =	sadd.s32 s4, s19  }
0x9c: {  	s7 =	simm.s32 $0x0;
	s20 =	sshll.u32 s5, $0x1;
	s5 =	sadd.s32 s21, s3  }
0x9d: {  	[timem:s7], [sflag:s22] =	dma.local [hbm:s5], s20  }
0x9e: {  	_ =	swait.ge [sflag:s22], s20  }
0x9f: {  	s4 =	ssub.s32 $0x0, s20;
	[sflag:s22] =	ssyncset.done $0x0  }
0xa0: {  	[sflag:s22] =	ssyncadd.s32 s4;
	_ =	sdelay $0x1  }
0xa1: {  	s23 =	simm.s32 $0x1B8B  }
0xa2: {  	_ =	swait.ge [sflag:s23], $0x1  }
0xa3: {  	[sflag:s23] =	ssyncset.done $0x0  }
0xa4: {  	s25 =	simm.s32 $0x1B8E;
	s24 =	sld [smem:$0x3FFE];
	[sflag:s23] =	ssyncadd.s32 $0xFFFFFFFF  }
0xa5: {  	s26 =	simm.s32 $execute0_lowered;
	[smem:$0x3FD2] =	sst s25  }
0xa6: {  	s5 =	sshll.u32 s26, $0x1;
	_ =	strace $0x80000046;
	[dreg:$0x1] =	wrdreg $0xFFFFFFFF  }
0xa7: {  	s28 =	simm.s32 $_size_execute0_lowered;
	s3 =	sadd.s32 s3, s5;
	[dreg:$0x0] =	wrdreg $0x0  }
0xa8: {  	s5 =	sshll.u32 s28, $0x1;
	[dreg:$0x2] =	wrdreg s3  }
0xa9: {  	[dreg:$0x3] =	wrdreg s5  }
0xaa: {  	[dreg:$0x4] =	wrdreg $0xC0  }
0xab: {  	_ =	task [dreg:s7], $0x5FFFF  }
0xac: {  	[dreg:$0x1] =	wrdreg $0xFFFFFFFF  }
0xad: {  	[dreg:$0x0] =	wrdreg $0x60  }
0xae: {  	[dreg:$0x2] =	wrdreg s24  }
0xaf: {  	[dreg:$0x3] =	wrdreg s2  }
0xb0: {  	[dreg:$0x4] =	wrdreg $0x67000  }
0xb1: {  	[dreg:$0x5] =	wrdreg $0x9  }
0xb2: {  	_ =	task.clear_ibuf [dreg:s7], $0x6FFFF;
	_ =	strace $0x90000046  }
0xb3: {  	s29 =	simm.s32 $0x9;
	_ =	strace $0x80000048  }
0xb4: {  	_ =	swait.ge [sflag:s29], $0x1  }
0xb5: {  	[sflag:s29] =	ssyncadd.s32 $0xFFFFFFFF  }
0xb6: {  	_ =	strace $0x90000048  }
0xb7: {  	_ =	sfence  }
0xb8: {  	s30 =	sld [smem:$0x0];
	_ =	sdelay $0x2  }
0xb9: {  	s31 =	sshll.u32 s1, $0xD;
	s1 =	sshrl.u32 s1, $0x2  }
0xba: {  	s3 =	sand.u32 $0x4000, s31;
	s1 =	sadd.s32 s1, s30  }
0xbb: {  	s0 =	sor.u32 s3, s0;
	s1 =	sshll.u32 s1, $0x11  }
0xbc: {  	s0 =	sor.u32 s1, s0  }
0xbd: {  	s0 =	sadd.s32 $0x8F2B, s0  }
0xbe: {  	[sflag:s0] =	ssyncadd.remote.s32 $0x1  }
0xbf: {  	_ =	sfence.sel $0xFFFF  }
0xc0: {  	[dreg:$0x0] =	wrdreg $0xFFFFFFFF;
	(pc) =	sbr.abs _section_cstart, $3  }
0xc1: {  	[dreg:$0x1] =	wrdreg $0xFFFFFFFF  }
0xc2: {  	_ =	task.clear_ibuf [dreg:s7], $0x2FFFF;
	_ =	strace $0x9FFFFFFF  }
0xc3: {  	(tm) =	ssettm $0x7FFFFFFF  }
tec
execute0_lowered:
.L_overlay_start_1:
0x0: {  	(tag) =	ssettag $0x1  }
0x1: {  	s4 =	rddreg [dreg:$0x0]  }
0x2: {  	s6 =	rddreg [dreg:$0x1]  }
0x3: {  	s0 =	srdreg.scid;
	s2 =	rddreg [dreg:$0x2];
	s3 =	simm.s32 $0x0  }
0x4: {  	s11 =	simm.s32 $0x1;
	s14 =	simm.s32 $0x20;
	s15 =	simm.s32 $0x10  }
0x5: {  	s16 =	simm.s32 $0x0;
	s5 =	sand.u32 $0x1, s0;
	s0 =	stileid.u32  }
0x6: {  	s18 =	simm.s32 $0x64;
	[smem:$0x7FF] =	sst s3;
	s8 =	smul.u32 $0xA00, s0  }
0x7: {  	s1 =	sshll.u32 s5, $0x4;
	s9 =	ssub.s32 $0x2, s5;
	s10 =	smul.u32 $0x500, s0  }
0x8: {  	s5 =	sshll.u32 s5, $0x7;
	s12 =	sshll.u32 s0, $0x6;
	s7 =	sor.u32 s0, s1  }
0x9: {  	s1 =	rddreg [dreg:$0x3];
	_ =	strace $0x80000047;
	s29 =	sshrl.u32 s9, $0x1  }
0xa: {  	s12 =	sor.u32 $0x1C02, s12;
	s7 =	smul.u32 $0xC80, s7;
	s8 =	sshrl.u32 s8, $0x2  }
0xb: {  	s30 =	sor.u32 s5, s10;
	s10 =	simm.s32 $0x6400;
	s5 =	sadd.s32 s8, s2  }
0xc: {  	s31 =	sshrl.u32 s30, $0x3;
	s8 =	simm.s32 $0x2;
	s4 =	sadd.s32 s7, s4  }
0xd: {  	s7 =	ssub.s32 s9, s29;
	s6 =	sadd.s32 s6, s31;
	s9 =	simm.s32 $0x6480  }
0xe: {  	v0 =	vimm.f32 $1.000000000e+00;
	v1 =	vimm.f32 $0.0e+00;
	s13 =	sshrl.u32 s5, $0x3;
	s4 =	sadd.s32 $0x2C00, s4;
	s7 =	smax.u32 s7, $0x1  }
.LBB2_1:
0xf: {  	[tilespmem:$0x6400] =	vst v0  }
0x10: {  	[tilespmem:$0x6410] =	vst v0  }
0x11: {  	[tilespmem:$0x6420] =	vst v0  }
0x12: {  	[tilespmem:$0x6430] =	vst v0  }
0x13: {  	[tilespmem:$0x6440] =	vst v0  }
0x14: {  	[tilespmem:$0x6450] =	vst v0  }
0x15: {  	[tilespmem:$0x6460] =	vst v0  }
0x16: {  	[tilespmem:$0x6480] =	vst v1  }
0x17: {  	[tilespmem:$0x6490] =	vst v1  }
0x18: {  	[tilespmem:$0x64A0] =	vst v1  }
0x19: {  	[tilespmem:$0x64B0] =	vst v1  }
0x1a: {  	[tilespmem:$0x64C0] =	vst v1  }
0x1b: {  	[tilespmem:$0x64D0] =	vst v1  }
0x1c: {  	[tilespmem:$0x64E0] =	vst v1  }
0x1d: {  	[tilespmem:$0x64F0] =	vst v1  }
0x1e: {  	[tilespmem:$0x6500] =	vst v1  }
0x1f: {  	[tilespmem:$0x6510] =	vst v1  }
0x20: {  	[tilespmem:$0x6520] =	vst v1  }
0x21: {  	[tilespmem:$0x6530] =	vst v1  }
0x22: {  	[tilespmem:$0x6540] =	vst v1  }
0x23: {  	[tilespmem:$0x6550] =	vst v1  }
0x24: {  	[tilespmem:$0x6560] =	vst v1  }
0x25: {  	[tilespmem:$0x6570] =	vst v1  }
0x26: {  	[tilespmem:$0x6580] =	vst v1  }
0x27: {  	[tilespmem:$0x6590] =	vst v1  }
0x28: {  	[tilespmem:$0x65A0] =	vst v1  }
0x29: {  	[tilespmem:$0x65B0] =	vst v1  }
0x2a: {  	[tilespmem:$0x65C0] =	vst v1  }
0x2b: {  	[tilespmem:$0x65D0] =	vst v1  }
0x2c: {  	[tilespmem:$0x65E0] =	vst v1  }
0x2d: {  	[tilespmem:$0x65F0] =	vst v1  }
0x2e: {  	[tilespmem:$0x6600] =	vst v1  }
0x2f: {  	[tilespmem:$0x6610] =	vst v1  }
0x30: {  	[tilespmem:$0x6620] =	vst v1  }
0x31: {  	[tilespmem:$0x6630] =	vst v1  }
0x32: {  	[tilespmem:$0x6640] =	vst v1  }
0x33: {  	[tilespmem:$0x6650] =	vst v1  }
0x34: {  	[tilespmem:$0x6660] =	vst v1  }
0x35: {  	[tilespmem:$0x6670] =	vst v1  }
0x36: {  	[tilespmem:$0x6680] =	vst v1  }
0x37: {  	[tilespmem:$0x6690] =	vst v1  }
0x38: {  	[tilespmem:$0x66A0] =	vst v1  }
0x39: {  	[tilespmem:$0x66B0] =	vst v1  }
0x3a: {  	[tilespmem:$0x66C0] =	vst v1  }
0x3b: {  	[tilespmem:$0x66D0] =	vst v1  }
0x3c: {  	[tilespmem:$0x66E0] =	vst v1  }
0x3d: {  	[tilespmem:$0x66F0] =	vst v1  }
0x3e: {  	[tilespmem:s3], [sflag:$0x2] =	stream.linear.gather [hbm4b:s4+s3], $0x6400, $0x38;
	[tilespmem:$0x6980] =	vst v63  }
0x3f: {  	_ =	swait.ge [sflag:s8], $0x6400  }
0x40: {  	[sflag:s8] =	ssyncset.done $0x0  }
0x41: {  	[sflag:s8] =	ssyncadd.s32 $0xFFFF9C00  }
0x42: {  	[spmem:s5] =	stream.linear.scatter [tilespmem:s9], [sflag:$0x2], $0x280, $0x38;
	[tilespmem:$0x6980] =	vst v63  }
0x43: {  	_ =	swait.ge [sflag:s8], $0x280  }
0x44: {  	[sflag:s8] =	ssyncset.done $0x0  }
0x45: {  	[sflag:s8] =	ssyncadd.s32 $0xFFFFFD80  }
0x46: {  	s17 =	simm.s32 $0x600;
	s19 =	simm.s32 $0x80;
	[bflag:$0x0] =	sbarrier.arrive $0xFFFF  }
.LBB2_2:
0x47: {  	[spmem:s2] =	stream.indirect.scatter.add.f32 [tilespmem:s10], [sflag:$0x1], $0x1, s19, s18, $0xb8;
	[tilespmem:$0x6980] =	vst v63  }
0x48: {  	s19 =	smov.u32 s17;
	p0 =	sne.s32 s17, $0x18E00  }
.Ltmp0:
0x49: {  	s17 =	sadd.s32 $0x400, s17;
	(pc) =	sbr.rel @p0 .LBB2_2-.Ltmp0, $2  }
0x4a: {  	_ =	sdelay $0x2  }
0x4b: {  	s19 =	sshra.s32 s19, $0x2  }
0x4c: {  	[spmem:s2] =	stream.indirect.scatter.add.f32 [tilespmem:s10], [sflag:$0x1], $0x1, s19, s18, $0xb8;
	[tilespmem:$0x6980] =	vst v63  }
0x4d: {  	_ =	swait.ge [sflag:s11], $0x64  }
0x4e: {  	s17 =	simm.s32 $0x63;
	[sflag:s11] =	ssyncset.done $0x0  }
.LBB2_4:
0x4f: {  	p0 =	sne.s32 s17, $0x1;
	s17 =	sadd.s32 $0xFFFFFFFF, s17;
	[sflag:s11] =	ssyncadd.s32 $0xFFFFFF9C  }
.Ltmp1:
0x50: {  	(pc) =	sbr.rel @p0 .LBB2_4-.Ltmp1, $3  }
0x51: {  	_ =	sdelay $0x1  }
0x52: {  	_ =	swait.ge [sflag:s11], $0x64  }
0x53: {  	[sflag:s11] =	ssyncset.done $0x0  }
0x54: {  	s16 =	sadd.s32 $0x1, s16  }
0x55: {  	[sflag:s11] =	ssyncadd.s32 $0xFFFFFF9C;
	p0 =	sne.s32 s16, s7  }
.Ltmp2:
0x56: {  	[bflag:$0x0] =	sbarrier.arrive $0xFFFF;
	(pc) =	sbr.rel @p0 .LBB2_1-.Ltmp2, $4  }
0x57: {  	[hbm:s6@s14], [sflag:s12] =	dma.strided [spmem:s13@s15], $0x50, s11, $0x10   }
0x58: {  	_ =	swait.ge [sflag:s8], $0x50  }
0x59: {  	[sflag:s8] =	ssyncset.done $0x0  }
0x5a: {  	[sflag:s8] =	ssyncadd.s32 $0xFFFFFFB0  }
0x5b: {  	_ =	sfence.sel $0x180000  }
0x5c: {  	[bflag:$0x0] =	sbarrier.arrive $0xFFFF  }
0x5d: {  	p0 =	sne.s32 s0, $0x0;
	_ =	strace $0x90000047  }
0x5e: {  	s0 =	sadd.s32 @!p0 $0x100000, s1;
	[bflag:$0x2] =	sbarrier.arrive $0xFFFF  }
0x5f: {  	[sflag:s0] =	ssyncadd.tile.s32 @!p0 $0x1;
	_ =	shalt  }
.Lfunc_end2:
_tile_overlayer_lowered:
.L_overlay_start_2:
0x60: {  	(tag) =	ssettag $0x2  }
0x61: {  	s0 =	rddreg [dreg:$0x0];
	s2 =	stileid.u32  }
0x62: {  	s1 =	rddreg [dreg:$0x1];
	p0 =	sne.s32 s2, $0x0  }
0x63: {  	s3 =	rddreg [dreg:$0x2];
	[bflag:$0x3] =	sbarrier.arrive $0xFFFF;
	s2 =	simm.s32 @!p0 $0x1C02  }
0x64: {  	[timem:s3], [sflag:s2] =	dma.local @!p0 [hbm:s0], s1  }
0x65: {  	s0 =	simm.s32 @!p0 $0x2  }
0x66: {  	_ =	swait.ge @!p0 [sflag:s0], s1  }
0x67: {  	s1 =	ssub.s32 @!p0 $0x0, s1;
	[sflag:s0] =	ssyncset.done @!p0 $0x0  }
0x68: {  	[sflag:s0] =	ssyncadd.s32 @!p0 s1  }
0x69: {  	[bflag:$0x3] =	sbarrier.arrive $0xFFFF  }
0x6a: {  	_ =	shalt  }

// kernel: kernel.9.cloned.1.call-start
scs
__scs_entry_jumppad:
0x0: {  	(pc) =	sbr.rel $0x88, $3  }
0x1: {  	(tag) =	ssettag $0x0;
	lr =	simm.s32 $0x1  }
0x2: {  	[smem:$0x3F95] =	sst lr;
	_ =	strace $0xD0000000  }
0x3: {  	_ = 	snop  }
0x4: {  	_ = 	snop  }
0x5: {  	_ = 	snop  }
0x6: {  	_ = 	snop  }
0x7: {  	_ = 	snop  }
__scs_overlays_trampoline_lowered:
0x8: {  	[smem:$0x3FA4] =	sst s0  }
0x9: {  	[smem:$0x3FA5] =	sst s1  }
0xa: {  	[smem:$0x3FA6] =	sst s2  }
0xb: {  	[smem:$0x3FA7] =	sst s3  }
0xc: {  	[smem:$0x3FA8] =	sst s4  }
0xd: {  	[smem:$0x3FA9] =	sst s5  }
0xe: {  	[smem:$0x3FAA] =	sst s6  }
0xf: {  	[smem:$0x3FAB] =	sst s7  }
0x10: {  	[smem:$0x3FAC] =	sst s8  }
0x11: {  	[smem:$0x3FAD] =	sst s9;
	s0 =	simm.s32 @!p0 $0x0  }
0x12: {  	s1 =	sld [smem:$0x3F93];
	s0 =	simm.s32 @p0 $0x1  }
0x13: {  	[smem:$0x3FAE] =	sst s0;
	s0 =	simm.s32 @!p1 $0x0  }
0x14: {  	s2 =	sld [smem:$0x3F92];
	s0 =	simm.s32 @p1 $0x1  }
0x15: {  	[smem:$0x3FAF] =	sst s0;
	s0 =	simm.s32 @!p2 $0x0  }
0x16: {  	s3 =	sld [smem:$0x3FDB];
	s0 =	simm.s32 @p2 $0x1  }
0x17: {  	s4 =	simm.s32 $0x1BF5;
	[smem:$0x3FB1] =	sst s0  }
0x18: {  	s0 =	sld [smem:$0x3F94];
	_ =	swait.ge [sflag:s4], $0x0  }
0x19: {  	s7 =	sld [smem:$0x3F95]  }
0x1a: {  	s8 =	sadd.s32 $0xFFFFE003, lr  }
0x1b: {  	s9 =	sadd.s32 $0xFFFFFEF7, lr;
	s5 =	simm.s32 $0xFFFFFFFF;
	p2 =	slt.u32 s8, $0xFFFFF086  }
0x1c: {  	p1 =	slt.u32 s9, $0xF7A;
	s5 =	simm.s32 @!p2 $0x0  }
0x1d: {  	s5 =	simm.s32 @p1 $0x1;
	p0 =	seq.s32 s7, s2  }
0x1e: {  	s7 =	smul.u32 @!p0 $0xF7A, s2;
	p2 =	seq.s32 @!p0 s5, $0x0  }
0x1f: {  	s9 =	smul.u32 $0xF7A, s1;
	s8 =	simm.s32 @!p0 $0x1BF5;
	p2 =	por !p2, p0  }
0x20: {  	[sflag:s8] =	ssyncset.s32 @!p0 $0xFFFFF086;
	s6 =	sadd.s32 @!p0 s3, s7;
	s7 =	simm.s32 @!p0 $0x108  }
0x21: {  	s3 =	sadd.s32 s3, s9;
	s6 =	sadd.s32 @!p0 $0x88, s6;
	s7 =	simm.s32 @p2 $0x1082  }
0x22: {  	[simem:s7], [sflag:s8] =	dma.local @!p0 [hbm:s6], $0xF7A  }
0x23: {  	s9 =	sor.u32 $0xD0000000, s2;
	s6 =	simm.s32 $0x108;
	_ =	swait.ge @!p0 [sflag:s8], $0x0  }
0x24: {  	s3 =	sadd.s32 $0x88, s3;
	s6 =	simm.s32 @!p1 $0x1082;
	[sflag:s4] =	ssyncset.s32 $0xFFFFF086  }
0x25: {  	[simem:s6], [sflag:s4] =	dma.local [hbm:s3], $0xF7A  }
0x26: {  	[smem:$0x3F95] =	sst s1;
	(tag) =	ssettag s2;
	_ =	strace s9  }
0x27: {  	s1 =	sld [smem:$0x3FA5]  }
0x28: {  	s2 =	sld [smem:$0x3FA6]  }
0x29: {  	s4 =	sld [smem:$0x3FA8]  }
0x2a: {  	p0 =	seq.s32 s5, $0x0;
	s5 =	sld [smem:$0x3FA9]  }
0x2b: {  	s6 =	sld [smem:$0x3FAA]  }
0x2c: {  	s7 =	sld [smem:$0x3FAB]  }
0x2d: {  	s3 =	simm.s32 $0x108;
	s8 =	sld [smem:$0x3FAC]  }
0x2e: {  	s3 =	simm.s32 @!p0 $0x1082;
	s9 =	sld [smem:$0x3FAD]  }
0x2f: {  	lr =	sadd.s32 s0, s3;
	s0 =	sld [smem:$0x3FA4]  }
0x30: {  	s3 =	sld [smem:$0x3FA7]  }
0x31: {  	[smem:$0x3FB0] =	sst s10  }
0x32: {  	s10 =	sld [smem:$0x3FAE];
	_ =	sdelay $0x3  }
0x33: {  	p0 =	seq.s32 s10, $0x1;
	s10 =	sld [smem:$0x3FB0];
	_ =	sdelay $0x3  }
0x34: {  	[smem:$0x3FB0] =	sst s10  }
0x35: {  	s10 =	sld [smem:$0x3FAF];
	_ =	sdelay $0x3  }
0x36: {  	p1 =	seq.s32 s10, $0x1;
	s10 =	sld [smem:$0x3FB0];
	_ =	sdelay $0x3  }
0x37: {  	[smem:$0x3FB0] =	sst s10  }
0x38: {  	s10 =	sld [smem:$0x3FB1]  }
0x39: {  	_ = 	snop;
	(pc) =	sbr.ind lr, $3  }
0x3a: {  	_ = 	snop  }
0x3b: {  	_ = 	snop  }
0x3c: {  	p2 =	seq.s32 s10, $0x1;
	s10 =	sld [smem:$0x3FB0]  }
0x3d: {  	_ =	shalt  }
0x3e: {  	_ =	shalt  }
0x3f: {  	_ =	shalt  }
0x40: {  	_ =	shalt  }
0x41: {  	_ =	shalt  }
0x42: {  	_ =	shalt  }
0x43: {  	_ =	shalt  }
0x44: {  	_ =	shalt  }
0x45: {  	_ =	shalt  }
0x46: {  	_ =	shalt  }
0x47: {  	_ =	shalt  }
0x48: {  	_ =	shalt  }
0x49: {  	_ =	shalt  }
0x4a: {  	_ =	shalt  }
0x4b: {  	_ =	shalt  }
0x4c: {  	_ =	shalt  }
0x4d: {  	_ =	shalt  }
0x4e: {  	_ =	shalt  }
0x4f: {  	_ =	shalt  }
0x50: {  	_ =	shalt  }
0x51: {  	_ =	shalt  }
0x52: {  	_ =	shalt  }
0x53: {  	_ =	shalt  }
0x54: {  	_ =	shalt  }
0x55: {  	_ =	shalt  }
0x56: {  	_ =	shalt  }
0x57: {  	_ =	shalt  }
0x58: {  	_ =	shalt  }
0x59: {  	_ =	shalt  }
0x5a: {  	_ =	shalt  }
0x5b: {  	_ =	shalt  }
0x5c: {  	_ =	shalt  }
0x5d: {  	_ =	shalt  }
0x5e: {  	_ =	shalt  }
0x5f: {  	_ =	shalt  }
0x60: {  	_ =	shalt  }
0x61: {  	_ =	shalt  }
0x62: {  	_ =	shalt  }
0x63: {  	_ =	shalt  }
0x64: {  	_ =	shalt  }
0x65: {  	_ =	shalt  }
0x66: {  	_ =	shalt  }
0x67: {  	_ =	shalt  }
0x68: {  	_ =	shalt  }
0x69: {  	_ =	shalt  }
0x6a: {  	_ =	shalt  }
0x6b: {  	_ =	shalt  }
0x6c: {  	_ =	shalt  }
0x6d: {  	_ =	shalt  }
0x6e: {  	_ =	shalt  }
0x6f: {  	_ =	shalt  }
0x70: {  	_ =	shalt  }
0x71: {  	_ =	shalt  }
0x72: {  	_ =	shalt  }
0x73: {  	_ =	shalt  }
0x74: {  	_ =	shalt  }
0x75: {  	_ =	shalt  }
0x76: {  	_ =	shalt  }
0x77: {  	_ =	shalt  }
0x78: {  	_ =	shalt  }
0x79: {  	_ =	shalt  }
0x7a: {  	_ =	shalt  }
0x7b: {  	_ =	shalt  }
0x7c: {  	_ =	shalt  }
0x7d: {  	_ =	shalt  }
0x7e: {  	_ =	shalt  }
0x7f: {  	_ =	shalt  }
0x80: {  	_ =	shalt  }
0x81: {  	_ =	shalt  }
0x82: {  	_ =	shalt  }
0x83: {  	_ =	shalt  }
0x84: {  	_ =	shalt  }
0x85: {  	_ =	shalt  }
0x86: {  	_ =	shalt  }
0x87: {  	_ =	shalt  }
.Lfunc_end0:
.L_simem_size_0:
called_computation.1_lowered:
.L_overlay_start_0:
0x88: {  	s2 =	sld [smem:$0x3FD9]  }
0x89: {  	s3 =	sld [smem:$0x3FFE];
	_ =	sdelay $0x1  }
0x8a: {  	s1 =	srdreg.scid  }
0x8b: {  	s0 =	sand.u32 $0x1, s1  }
0x8c: {  	s17 =	sshll.u32 s0, $0xA;
	s2 =	sadd.s32 s3, s2  }
0x8d: {  	s2 =	sadd.s32 s2, s17  }
0x8e: {  	[smem:$0x3FBC] =	sst s2  }
0x8f: {  	_ = 	snop  }
0x90: {  	s2 =	sld [smem:$0x3FD0];
	(tm) =	ssettm $0x1  }
0x91: {  	s18 =	sld [smem:$0x3FFB];
	_ =	sdelay $0x3  }
0x92: {  	_ =	strace s18  }
0x93: {  	s3 =	sld [smem:$0x3FFC];
	_ =	sdelay $0x3  }
0x94: {  	_ =	strace s3  }
0x95: {  	s3 =	sld [smem:$0x3FFD];
	_ =	sdelay $0x3  }
0x96: {  	_ =	strace s3  }
0x97: {  	_ =	strace $0x8FFFFFFF  }
0x98: {  	s19 =	sld [smem:$0x3FDB];
	_ =	sdelay $0x1  }
0x99: {  	s4 =	simm.s32 $_scs_section_size  }
0x9a: {  	s5 =	simm.s32 $_size__tile_overlayer_lowered;
	s6 =	simm.s32 $_tile_overlayer_lowered  }
0x9b: {  	s22 =	simm.s32 $0x1BFF;
	s21 =	sshll.u32 s6, $0x1;
	s3 =	sadd.s32 s4, s19  }
0x9c: {  	s7 =	simm.s32 $0x0;
	s20 =	sshll.u32 s5, $0x1;
	s5 =	sadd.s32 s21, s3  }
0x9d: {  	[timem:s7], [sflag:s22] =	dma.local [hbm:s5], s20  }
0x9e: {  	_ =	swait.ge [sflag:s22], s20  }
0x9f: {  	s4 =	ssub.s32 $0x0, s20;
	[sflag:s22] =	ssyncset.done $0x0  }
0xa0: {  	[sflag:s22] =	ssyncadd.s32 s4;
	_ =	sdelay $0x1  }
0xa1: {  	s23 =	simm.s32 $0x1B8B  }
0xa2: {  	_ =	swait.ge [sflag:s23], $0x1  }
0xa3: {  	[sflag:s23] =	ssyncset.done $0x0  }
0xa4: {  	s25 =	simm.s32 $0x1B8E;
	s24 =	sld [smem:$0x3FFE];
	[sflag:s23] =	ssyncadd.s32 $0xFFFFFFFF  }
0xa5: {  	s26 =	simm.s32 $execute0_lowered;
	[smem:$0x3FD2] =	sst s25  }
0xa6: {  	s5 =	sshll.u32 s26, $0x1;
	_ =	strace $0x80000049;
	[dreg:$0x1] =	wrdreg $0xFFFFFFFF  }
0xa7: {  	s28 =	simm.s32 $_size_execute0_lowered;
	s3 =	sadd.s32 s3, s5;
	[dreg:$0x0] =	wrdreg $0x0  }
0xa8: {  	s5 =	sshll.u32 s28, $0x1;
	[dreg:$0x2] =	wrdreg s3  }
0xa9: {  	[dreg:$0x3] =	wrdreg s5  }
0xaa: {  	[dreg:$0x4] =	wrdreg $0xC0  }
0xab: {  	_ =	task [dreg:s7], $0x5FFFF  }
0xac: {  	[dreg:$0x1] =	wrdreg $0xFFFFFFFF  }
0xad: {  	[dreg:$0x0] =	wrdreg $0x60  }
0xae: {  	[dreg:$0x2] =	wrdreg s2  }
0xaf: {  	[dreg:$0x3] =	wrdreg s24  }
0xb0: {  	[dreg:$0x4] =	wrdreg $0xA4000  }
0xb1: {  	[dreg:$0x5] =	wrdreg $0x9  }
0xb2: {  	_ =	task.clear_ibuf [dreg:s7], $0x6FFFF;
	_ =	strace $0x90000049  }
0xb3: {  	s29 =	simm.s32 $0x9;
	_ =	strace $0x8000004B  }
0xb4: {  	_ =	swait.ge [sflag:s29], $0x1  }
0xb5: {  	[sflag:s29] =	ssyncadd.s32 $0xFFFFFFFF  }
0xb6: {  	_ =	strace $0x9000004B  }
0xb7: {  	_ =	sfence  }
0xb8: {  	s30 =	sld [smem:$0x0];
	_ =	sdelay $0x2  }
0xb9: {  	s31 =	sshll.u32 s1, $0xD;
	s1 =	sshrl.u32 s1, $0x2  }
0xba: {  	s3 =	sand.u32 $0x4000, s31;
	s1 =	sadd.s32 s1, s30  }
0xbb: {  	s0 =	sor.u32 s3, s0;
	s1 =	sshll.u32 s1, $0x11  }
0xbc: {  	s0 =	sor.u32 s1, s0  }
0xbd: {  	s0 =	sadd.s32 $0x8F2B, s0  }
0xbe: {  	[sflag:s0] =	ssyncadd.remote.s32 $0x1  }
0xbf: {  	_ =	sfence.sel $0xFFFF  }
0xc0: {  	[dreg:$0x0] =	wrdreg $0xFFFFFFFF;
	(pc) =	sbr.abs _section_cstart, $3  }
0xc1: {  	[dreg:$0x1] =	wrdreg $0xFFFFFFFF  }
0xc2: {  	_ =	task.clear_ibuf [dreg:s7], $0x2FFFF;
	_ =	strace $0x9FFFFFFF  }
0xc3: {  	(tm) =	ssettm $0x7FFFFFFF  }
tec
execute0_lowered:
.L_overlay_start_1:
0x0: {  	(tag) =	ssettag $0x1  }
0x1: {  	s1 =	rddreg [dreg:$0x0]  }
0x2: {  	s0 =	rddreg [dreg:$0x1]  }
0x3: {  	s2 =	rddreg [dreg:$0x2];
	s3 =	srdreg.scid;
	s4 =	simm.s32 $0x0  }
0x4: {  	s14 =	stileid.u32;
	s15 =	simm.s32 $0x64;
	s17 =	simm.s32 $0x100  }
0x5: {  	s20 =	simm.s32 $0x2;
	s21 =	simm.s32 $0x3;
	s6 =	smul.u32 $0x13C00, s14  }
0x6: {  	s22 =	simm.s32 $0x0;
	s3 =	sand.u32 $0x1, s3;
	s8 =	smul.u32 $0x4F000, s14  }
0x7: {  	[smem:$0x7FF] =	sst s4;
	s12 =	sadd.s32 $0x2C00, s0;
	s10 =	smul.u32 $0x6400, s14  }
0x8: {  	s26 =	sadd.s32 $0x1BC00, s0;
	s30 =	sshll.u32 s14, $0x6;
	s5 =	smul.u32 $0x13C000, s3  }
0x9: {  	_ =	strace $0x8000004A;
	s7 =	sshll.u32 s3, $0x4;
	[dreg:$0x4] =	wrdreg s26  }
0xa: {  	s28 =	ssub.s32 $0x2, s3;
	s3 =	smul.u32 $0x64000, s3;
	s7 =	sor.u32 s14, s7  }
0xb: {  	s9 =	sshrl.u32 s28, $0x1;
	s8 =	sshrl.u32 s8, $0x2;
	s14 =	simm.s32 $0x4  }
0xc: {  	s6 =	sadd.s32 s6, s5;
	s7 =	smul.u32 $0x6400, s7;
	s11 =	ssub.s32 s28, s9  }
0xd: {  	s13 =	sadd.s32 s8, s2;
	s3 =	sadd.s32 s10, s3;
	s6 =	sshrl.u32 s6, $0x3  }
0xe: {  	s3 =	sor.u32 $0x300, s3;
	s11 =	smax.u32 s11, $0x1;
	s13 =	sshrl.u32 s13, $0x3  }
0xf: {  	s0 =	sadd.s32 s6, s0;
	s29 =	sshrl.u32 s7, $0x3;
	s7 =	sor.u32 $0x1C04, s30  }
0x10: {  	s31 =	sshrl.u32 s3, $0x3;
	s6 =	sadd.s32 s12, s29;
	s10 =	sadd.s32 $0x1E400, s0  }
0x11: {  	s12 =	sadd.s32 s31, s12;
	s8 =	sadd.s32 $0x20, s6;
	s9 =	sadd.s32 $0x40, s6  }
.LBB2_1:
0x12: {  	s0 =	rddreg [dreg:$0x4]  }
0x13: {  	[spmem:s13], [sflag:s7] =	dma.local [hbm:s0], $0x2780  }
0x14: {  	_ =	swait.ge [sflag:s14], $0x2780  }
0x15: {  	s25 =	simm.s32 $0x800;
	[sflag:s14] =	ssyncset.done $0x0  }
0x16: {  	s26 =	simm.s32 $0x3C00;
	s30 =	simm.s32 $0x0;
	[sflag:s14] =	ssyncadd.s32 $0xFFFFD880  }
0x17: {  	[tilespmem:s4], [sflag:$0x4] =	stream.linear.gather [hbm4b:s6+s4], $0x100, $0x38;
	[tilespmem:$0x1E000] =	vst v63  }
0x18: {  	s3 =	simm.s32 $0x200;
	s29 =	simm.s32 $0x300;
	_ =	swait.ge [sflag:s14], $0x100  }
0x19: {  	p0 =	por $0x0, $0x0;
	s23 =	simm.s32 $0x400;
	[sflag:s14] =	ssyncset.done $0x0  }
0x1a: {  	s16 =	simm.s32 $0x0;
	s24 =	sadd.s32 $0x20, s12;
	[sflag:s14] =	ssyncadd.s32 $0xFFFFFF00  }
0x1b: {  	[tilespmem:s25], [sflag:$0x2] =	stream.indirect.gather [hbm4b:s1+s15], $0x80, s4, s15, $0xb8;
	[tilespmem:$0x1E000] =	vst v63  }
0x1c: {  	s0 =	smul.u32 $0xAB, s30;
	p2 =	por @!p0 $0x1, $0x1;
	s18 =	simm.s32 @!p0 $0x200  }
0x1d: {  	[tilespmem:s17], [sflag:$0x4] =	stream.linear.gather [hbm4b:s8+s4], $0x100, $0x38;
	[tilespmem:$0x1E000] =	vst v63  }
0x1e: {  	p1 =	por @!p0 $0x0, $0x0;
	s0 =	sshrl.u32 s0, $0x9;
	_ =	swait.ge [sflag:s14], $0x100  }
0x1f: {  	s16 =	sand.u32 $0x700, s16;
	s0 =	sand.u32 $0x7F, s0;
	[sflag:s14] =	ssyncset.done $0x0  }
0x20: {  	s28 =	sand.u32 @!p0 $0x700, s18;
	s0 =	smul.u32 $0x3, s0;
	[sflag:s14] =	ssyncadd.s32 $0xFFFFFF00  }
0x21: {  	[tilespmem:s26], [sflag:$0x2] =	stream.indirect.gather [hbm4b:s1+s15], $0x80, s17, s15, $0xb8;
	[tilespmem:$0x1E000] =	vst v63  }
0x22: {  	p1 =	por p1, p0;
	s18 =	simm.s32 @!p0 $0x1;
	s0 =	ssub.s32 $0x0, s0  }
0x23: {  	[tilespmem:s3], [sflag:$0x1] =	stream.linear.gather [hbm4b:s9+s4], $0x100, $0x38;
	[tilespmem:$0x1E000] =	vst v63  }
0x24: {  	s16 =	sor.u32 $0x80, s16;
	s0 =	sand.u32 $0xFF, s0;
	s3 =	smul.u32 @!p0 $0xAB, s20  }
0x25: {  	p3 =	por p2, p0;
	s0 =	smul.u32 $0xD000, s0;
	[bflag:$0x0] =	sbarrier.arrive $0xFFFF  }
0x26: {  	s31 =	sand.u32 @!p1 $0x700, s29;
	s3 =	sshrl.u32 @!p0 s3, $0x9;
	_ =	swait.ge [sflag:s20], $0x3200  }
0x27: {  	s0 =	sshrl.u32 s0, $0x2;
	s3 =	sand.u32 @!p0 $0x7F, s3;
	[sflag:s20] =	ssyncset.done $0x0  }
0x28: {  	s0 =	sadd.s32 $0x800, s0;
	s3 =	smul.u32 @!p0 $0x3, s3;
	[sflag:s20] =	ssyncadd.s32 $0xFFFFCE00  }
0x29: {  	[spmem:s2] =	stream.indirect.scatter.add.f32 [tilespmem:s0], [sflag:$0x3], $0x80, s16, s15, $0xb8;
	[tilespmem:$0x1E000] =	vst v63  }
0x2a: {  	s29 =	smov.u32 s12;
	s25 =	simm.s32 $0x3;
	s3 =	ssub.s32 @!p0 $0x2, s3  }
0x2b: {  	s26 =	simm.s32 $0x500;
	_ =	swait.ge @!p0 [sflag:s18], $0x100;
	s3 =	sand.u32 @!p0 $0xFF, s3  }
0x2c: {  	s0 =	simm.s32 $0x1;
	[sflag:s18] =	ssyncset.done @!p0 $0x0;
	s19 =	smul.u32 @!p0 $0xD000, s3  }
0x2d: {  	s16 =	simm.s32 @!p3 $0x3;
	s3 =	simm.s32 @!p0 $0x64;
	[sflag:s18] =	ssyncadd.s32 @!p0 $0xFFFFFF00  }
0x2e: {  	s18 =	smul.u32 $0xAB, s0;
	_ =	swait.ge @!p3 [sflag:s16], $0x3200;
	s19 =	sshrl.u32 @!p0 s19, $0x2  }
.LBB2_2:
0x2f: {  	[sflag:s16] =	ssyncset.done @!p3 $0x0;
	s19 =	sadd.s32 @!p0 $0x800, s19;
	s30 =	smov.u32 s23  }
0x30: {  	s23 =	smov.u32 s26;
	s26 =	sadd.s32 $0x100, s26;
	s5 =	smov.u32 s29  }
0x31: {  	p2 =	sne.s32 s26, $0x6700;
	s18 =	sshrl.u32 s18, $0x9;
	[sflag:s16] =	ssyncadd.s32 @!p3 $0xFFFFCE00  }
0x32: {  	s29 =	smov.u32 s24;
	s16 =	sand.u32 $0x7F, s18;
	s18 =	smov.u32 s25  }
0x33: {  	s16 =	smul.u32 $0x3, s16  }
0x34: {  	[tilespmem:s19], [sflag:$0x2] =	stream.indirect.gather @!p0 [hbm4b:s1+s3], $0x80, s28, s3, $0xb8;
	[tilespmem:$0x1E000] =	vst v63  }
0x35: {  	p0 =	sgt.u32 s0, $0x61;
	s3 =	ssub.s32 s0, s16;
	s16 =	sadd.s32 $0xFFFFFD00, s30  }
0x36: {  	p3 =	seq.s32 @!p0 s30, $0x300;
	s0 =	sand.u32 $0xFF, s3;
	s3 =	smul.u32 @!p0 $0xAB, s25  }
0x37: {  	s19 =	sadd.s32 @!p0 $0xFFFFFF00, s30;
	p4 =	seq.s32 @!p0 s30, $0x6400;
	s0 =	smul.u32 $0xD000, s0  }
0x38: {  	s24 =	sadd.s32 $0x20, s24;
	s28 =	sand.u32 @!p0 $0x700, s19;
	s3 =	sshrl.u32 @!p0 s3, $0x9  }
0x39: {  	s19 =	simm.s32 @!p1 $0x0;
	s0 =	sshrl.u32 s0, $0x2;
	s3 =	sand.u32 @!p0 $0x7F, s3  }
0x3a: {  	s16 =	sand.u32 $0x700, s16;
	s25 =	sadd.s32 $0x1, s25;
	s3 =	smul.u32 @!p0 $0x3, s3  }
0x3b: {  	[tilespmem:s31], [sflag:$0x1] =	stream.linear.gather @!p1 [hbm4b:s5+s19], $0x100, $0x38;
	[tilespmem:$0x1E000] =	vst v63  }
0x3c: {  	p1 =	por p4, p0;
	_ =	swait.ge [sflag:s20], $0x3200;
	s3 =	ssub.s32 @!p0 s18, s3  }
0x3d: {  	s5 =	simm.s32 @!p0 $0x1;
	[sflag:s20] =	ssyncset.done $0x0;
	s3 =	sand.u32 @!p0 $0xFF, s3  }
0x3e: {  	s16 =	sor.u32 $0x80, s16;
	s0 =	sadd.s32 $0x800, s0;
	[sflag:s20] =	ssyncadd.s32 $0xFFFFCE00  }
0x3f: {  	[spmem:s2] =	stream.indirect.scatter.add.f32 [tilespmem:s0], [sflag:$0x3], $0x80, s16, s15, $0xb8;
	[tilespmem:$0x1E000] =	vst v63  }
.Ltmp0:
0x40: {  	_ = 	snop;
	(pc) =	sbr.rel @p2 .LBB2_2-.Ltmp0, $4  }
0x41: {  	s18 =	smul.u32 @!p0 $0xD000, s3;
	s3 =	simm.s32 @!p0 $0x64;
	_ =	swait.ge @!p0 [sflag:s5], $0x100  }
0x42: {  	p3 =	por p3, p0;
	s0 =	sadd.s32 $0xFFFFFFFE, s25;
	[sflag:s5] =	ssyncset.done @!p0 $0x0  }
0x43: {  	s16 =	simm.s32 @!p3 $0x3;
	s19 =	sshrl.u32 @!p0 s18, $0x2;
	[sflag:s5] =	ssyncadd.s32 @!p0 $0xFFFFFF00  }
0x44: {  	s31 =	sand.u32 @!p1 $0x700, s30;
	s18 =	smul.u32 $0xAB, s0;
	_ =	swait.ge @!p3 [sflag:s16], $0x3200  }
0x45: {  	_ = 	snop  }
0x46: {  	[sflag:s16] =	ssyncset.done @!p3 $0x0;
	s5 =	sshrl.u32 s18, $0x9  }
0x47: {  	s18 =	sadd.s32 @!p0 $0x800, s19;
	[sflag:s16] =	ssyncadd.s32 @!p3 $0xFFFFCE00;
	s5 =	sand.u32 $0x7F, s5  }
0x48: {  	[tilespmem:s18], [sflag:$0x2] =	stream.indirect.gather @!p0 [hbm4b:s1+s3], $0x80, s28, s3, $0xb8;
	[tilespmem:$0x1E000] =	vst v63  }
0x49: {  	s16 =	simm.s32 @!p1 $0x0;
	p0 =	sgt.u32 s0, $0x61;
	s5 =	smul.u32 $0x3, s5  }
0x4a: {  	[tilespmem:s31], [sflag:$0x1] =	stream.linear.gather @!p1 [hbm4b:s29+s16], $0x100, $0x38;
	[tilespmem:$0x1E000] =	vst v63  }
0x4b: {  	s3 =	smul.u32 @!p0 $0xAB, s25;
	s26 =	ssub.s32 s0, s5  }
0x4c: {  	s30 =	sadd.s32 $0xFFFFFD00, s23;
	p2 =	seq.s32 @!p0 s23, $0x300;
	s28 =	sand.u32 $0xFF, s26  }
0x4d: {  	s16 =	simm.s32 @!p0 $0x1;
	s3 =	sshrl.u32 @!p0 s3, $0x9;
	s0 =	smul.u32 $0xD000, s28  }
0x4e: {  	s5 =	sand.u32 $0x700, s30;
	_ =	swait.ge [sflag:s20], $0x3200;
	s3 =	sand.u32 @!p0 $0x7F, s3  }
0x4f: {  	[sflag:s20] =	ssyncset.done $0x0;
	s5 =	sor.u32 $0x80, s5;
	s0 =	sshrl.u32 s0, $0x2  }
0x50: {  	s3 =	smul.u32 @!p0 $0x3, s3;
	[sflag:s20] =	ssyncadd.s32 $0xFFFFCE00;
	s0 =	sadd.s32 $0x800, s0  }
0x51: {  	[spmem:s2] =	stream.indirect.scatter.add.f32 [tilespmem:s0], [sflag:$0x3], $0x80, s5, s15, $0xb8;
	[tilespmem:$0x1E000] =	vst v63  }
0x52: {  	p1 =	por p2, p0;
	s3 =	ssub.s32 @!p0 s25, s3;
	_ =	swait.ge @!p0 [sflag:s16], $0x100  }
0x53: {  	p2 =	seq.s32 @!p0 s23, $0x6400;
	s3 =	sand.u32 @!p0 $0xFF, s3;
	[sflag:s16] =	ssyncset.done @!p0 $0x0  }
0x54: {  	s3 =	smul.u32 @!p0 $0xD000, s3;
	s5 =	simm.s32 @!p1 $0x3;
	[sflag:s16] =	ssyncadd.s32 @!p0 $0xFFFFFF00  }
0x55: {  	p2 =	por p2, p0;
	s0 =	sadd.s32 @!p0 $0xFFFFFF00, s23;
	_ =	swait.ge @!p1 [sflag:s5], $0x3200  }
0x56: {  	s0 =	sand.u32 @!p0 $0x700, s0;
	s3 =	sshrl.u32 @!p0 s3, $0x2;
	[sflag:s5] =	ssyncset.done @!p1 $0x0  }
0x57: {  	s16 =	simm.s32 @!p0 $0x64;
	s3 =	sadd.s32 @!p0 $0x800, s3;
	[sflag:s5] =	ssyncadd.s32 @!p1 $0xFFFFCE00  }
0x58: {  	[tilespmem:s3], [sflag:$0x2] =	stream.indirect.gather @!p0 [hbm4b:s1+s16], $0x80, s0, s16, $0xb8;
	[tilespmem:$0x1E000] =	vst v63  }
0x59: {  	s0 =	sand.u32 @!p2 $0x700, s23;
	s3 =	simm.s32 @!p2 $0x0  }
0x5a: {  	[tilespmem:s0], [sflag:$0x1] =	stream.linear.gather @!p2 [hbm4b:s24+s3], $0x100, $0x38;
	[tilespmem:$0x1E000] =	vst v63  }
0x5b: {  	_ =	swait.ge [sflag:s21], $0x3200  }
0x5c: {  	[sflag:s21] =	ssyncset.done $0x0  }
0x5d: {  	[sflag:s21] =	ssyncadd.s32 $0xFFFFCE00  }
0x5e: {  	_ =	swait.ge [sflag:s21], $0x3200  }
0x5f: {  	[sflag:s21] =	ssyncset.done $0x0  }
0x60: {  	[sflag:s21] =	ssyncadd.s32 $0xFFFFCE00  }
0x61: {  	_ =	swait.ge [sflag:s21], $0x3200  }
0x62: {  	s22 =	sadd.s32 $0x1, s22;
	[sflag:s21] =	ssyncset.done $0x0  }
0x63: {  	p0 =	sne.s32 s22, s11;
	[sflag:s21] =	ssyncadd.s32 $0xFFFFCE00  }
.Ltmp1:
0x64: {  	[bflag:$0x0] =	sbarrier.arrive $0xFFFF;
	(pc) =	sbr.rel @p0 .LBB2_1-.Ltmp1, $4  }
0x65: {  	[hbm:s10], [sflag:s7] =	dma.local [spmem:s13], $0x2780  }
0x66: {  	_ =	swait.ge [sflag:s14], $0x2780  }
0x67: {  	[sflag:s14] =	ssyncset.done $0x0  }
0x68: {  	[sflag:s14] =	ssyncadd.s32 $0xFFFFD880  }
0x69: {  	_ =	sfence.sel $0x180000  }
0x6a: {  	[bflag:$0x0] =	sbarrier.arrive $0xFFFF  }
0x6b: {  	_ =	strace $0x9000004A  }
0x6c: {  	s0 =	stileid.u32;
	[bflag:$0x2] =	sbarrier.arrive $0xFFFF  }
0x6d: {  	p0 =	sne.s32 s0, $0x0;
	s0 =	rddreg [dreg:$0x3]  }
0x6e: {  	s0 =	sadd.s32 @!p0 $0x100000, s0  }
0x6f: {  	[sflag:s0] =	ssyncadd.tile.s32 @!p0 $0x1;
	_ =	shalt  }
.Lfunc_end2:
_tile_overlayer_lowered:
.L_overlay_start_2:
0x70: {  	(tag) =	ssettag $0x2  }
0x71: {  	s0 =	rddreg [dreg:$0x0];
	s2 =	stileid.u32  }
0x72: {  	s1 =	rddreg [dreg:$0x1];
	p0 =	sne.s32 s2, $0x0  }
0x73: {  	s3 =	rddreg [dreg:$0x2];
	[bflag:$0x3] =	sbarrier.arrive $0xFFFF;
	s2 =	simm.s32 @!p0 $0x1C04  }
0x74: {  	[timem:s3], [sflag:s2] =	dma.local @!p0 [hbm:s0], s1  }
0x75: {  	s0 =	simm.s32 @!p0 $0x4  }
0x76: {  	_ =	swait.ge @!p0 [sflag:s0], s1  }
0x77: {  	s1 =	ssub.s32 @!p0 $0x0, s1;
	[sflag:s0] =	ssyncset.done @!p0 $0x0  }
0x78: {  	[sflag:s0] =	ssyncadd.s32 @!p0 s1  }
0x79: {  	[bflag:$0x3] =	sbarrier.arrive $0xFFFF  }
0x7a: {  	_ =	shalt  }

</sc_bundles>
